<compile_context>
chip_gen: v7x
topology: tpu7x:2x2x1
jax: 0.10.2.dev20260603
libtpu: 0.0.44.dev20260713+nightly
codegen_flags: <defaults>
</compile_context>

<pallas_src>
import functools

import jax
import jax.numpy as jnp
from jax import lax
from jax.experimental import pallas as pl
from jax.experimental.pallas import tpu as pltpu
from jax.experimental.pallas import tpu_sc as plsc

N = 16384
DIM = 64
OUT_D = DIM + 2
V = 1000000

_info = plsc.get_sparse_core_info()
NC = _info.num_cores
NS = _info.num_subcores
L = _info.num_lanes
NW = NC * NS

CW = 10752
NFULL = V // CW
TAIL = V - NFULL * CW
NCH = NFULL + 1
SELCW = 2048


def _emb_kernel(sv_hbm, perm_hbm, starts_hbm, selbits_hbm, st_hbm,
                tail_hbm, tableT_hbm, outT_hbm,
                sv_v, perm_v, starts_v, st_v, tail_v,
                slab0, slab1, slab2, stage_v, sem0, sem1, sem2):
    wid = lax.axis_index("s") * NC + lax.axis_index("c")
    d0 = 2 * wid

    pltpu.sync_copy(sv_hbm, sv_v)
    pltpu.sync_copy(perm_hbm, perm_v)
    pltpu.sync_copy(starts_hbm, starts_v)
    pltpu.sync_copy(st_hbm, st_v)
    pltpu.sync_copy(tail_hbm.at[pl.ds(d0, 2), :], tail_v)

    k16 = lax.iota(jnp.int32, L)
    zeros = k16 * 0
    ones = zeros + 1

    def extract(c):
        win = starts_v[pl.ds(16 * (c // 16), L)]
        return jnp.sum(jnp.where(k16 == c % 16, win, 0))

    def process(c, jlo, jhi, slab, width):
        p0 = jlo >> 5
        p1 = (jhi + 31) >> 5

        def one(g):
            j = g * L + k16
            mask = (j >= jlo) & (j < jhi)
            vvec = sv_v[pl.ds(g * L, L)]
            pvec = perm_v[pl.ds(g * L, L)]
            vloc = jnp.clip(vvec - c * CW, 0, width - 1)
            a = plsc.load_gather(slab, [zeros, vloc])
            b = plsc.load_gather(slab, [ones, vloc])
            plsc.store_scatter(stage_v, [zeros, pvec], a, mask=mask)
            plsc.store_scatter(stage_v, [ones, pvec], b, mask=mask)

        def p_body(p, carry):
            one(2 * p)
            one(2 * p + 1)
            return carry

        lax.fori_loop(p0, p1, p_body, 0)

    slabs = [slab0, slab1, slab2]
    sems = [sem0, sem1, sem2]

    def start(c, b):
        pltpu.async_copy(
            tableT_hbm.at[pl.ds(d0, 2), pl.ds(c * CW, CW)],
            slabs[b], sems[b])

    def drain(b):
        pltpu.make_async_copy(
            tableT_hbm.at[pl.ds(0, 2), pl.ds(0, CW)],
            slabs[b], sems[b]).wait()

    start(0, 0)
    start(1, 1)

    def triple_body(g, jlo):
        c0 = 3 * g

        def third(b, jlo_b):
            c = c0 + b
            drain(b)

            @pl.when(c + 2 < NFULL)
            def _():
                start(c + 2, (b + 2) % 3)

            jhi = extract(c + 1)
            process(c, jlo_b, jhi, slabs[b], CW)
            return jhi

        jlo = third(0, jlo)
        jlo = third(1, jlo)
        jlo = third(2, jlo)
        return jlo

    jlo = lax.fori_loop(0, NFULL // 3, triple_body, 0)
    process(NFULL, jlo, extract(NCH), tail_v, TAIL)

    stx0 = st_v[pl.ds(0 * L, L)]
    stx1 = st_v[pl.ds(1 * L, L)]
    sty0 = st_v[pl.ds(2 * L, L)]
    sty1 = st_v[pl.ds(3 * L, L)]

    @pl.when(wid < 2)
    def _():
        is1 = wid == 1
        hi = jnp.where(is1, stx1, stx0)
        lo = jnp.where(is1, sty1, sty0)

        def sel_chunk(ch, carry):
            pltpu.sync_copy(selbits_hbm.at[pl.ds(ch * SELCW, SELCW)],
                            slab0.at[0, pl.ds(0, SELCW)])

            def sel_body(i, carry2):
                s = plsc.bitcast(slab0[0, pl.ds(i * L, L)], jnp.int32)
                slab0[1, pl.ds(i * L, L)] = jnp.where(s == 0, hi, lo)
                return carry2

            lax.fori_loop(0, SELCW // L, sel_body, 0)
            pltpu.sync_copy(
                slab0.at[pl.ds(1, 1), pl.ds(0, SELCW)],
                outT_hbm.at[pl.ds(DIM + wid, 1), pl.ds(ch * SELCW, SELCW)])
            return carry

        lax.fori_loop(0, N // SELCW, sel_chunk, 0)

    pltpu.sync_copy(stage_v, outT_hbm.at[pl.ds(d0, 2), :])


@jax.jit
def _emb(vocab_ids, selector_ids, table, selector_table):
    mesh = plsc.VectorSubcoreMesh(core_axis_name="c", subcore_axis_name="s")
    tableT = table.T
    tail64 = table[NFULL * CW:, :].T
    st64 = jnp.repeat(selector_table.reshape(-1), L)
    selbits = lax.bitcast_convert_type(
        selector_ids.astype(jnp.int32), jnp.float32)
    sv, order = lax.sort_key_val(vocab_ids.astype(jnp.int32),
                                 jnp.arange(N, dtype=jnp.int32))
    bounds = jnp.concatenate([
        jnp.arange(NCH, dtype=jnp.int32) * CW,
        jnp.array([V], dtype=jnp.int32),
    ])
    starts = jnp.searchsorted(sv, bounds).astype(jnp.int32)
    starts = jnp.pad(starts, (0, 96 - (NCH + 1)))
    f = functools.partial(
        pl.kernel,
        mesh=mesh,
        out_type=jax.ShapeDtypeStruct((OUT_D, N), jnp.float32),
        scratch_types=[
            pltpu.VMEM((N,), jnp.int32),
            pltpu.VMEM((N,), jnp.int32),
            pltpu.VMEM((96,), jnp.int32),
            pltpu.VMEM((4 * L,), jnp.float32),
            pltpu.VMEM((2, TAIL), jnp.float32),
            pltpu.VMEM((2, CW), jnp.float32),
            pltpu.VMEM((2, CW), jnp.float32),
            pltpu.VMEM((2, CW), jnp.float32),
            pltpu.VMEM((2, N), jnp.float32),
            pltpu.SemaphoreType.DMA,
            pltpu.SemaphoreType.DMA,
            pltpu.SemaphoreType.DMA,
        ],
        compiler_params=pltpu.CompilerParams(needs_layout_passes=False),
    )(_emb_kernel)
    outT = f(sv, order, starts, selbits, st64, tail64, tableT)
    return outT.T


def kernel(vocab_ids, selector_ids, table, selector_table):
    return _emb(vocab_ids.astype(jnp.int32), selector_ids.astype(jnp.int32),
                table, selector_table)

# --- scband reference (transcript-rebuilt; emitter-appended) ---
"""Pipeline reference for scband-node-embeddings-16492674417500 (READ-ONLY COPY).

The authoritative reference and input builder live on the scoring server;
editing this copy changes nothing except your own understanding.
"""

import jax, jax.numpy as jnp
import numpy as np

VOCAB = 1000000
DIM = 64
N = 16384
SELECTOR_VALUE = 50.0


def setup_inputs(seed: int = 0) -> dict:
    key = jax.random.key(seed)
    k1, k2, k3 = jax.random.split(key, 3)
    vocab_ids = jax.random.randint(k1, (N,), 0, VOCAB)
    selector_ids = jax.random.randint(k2, (N,), 0, 2)
    # nn.Embedding default init is N(0,1)
    table = jax.random.normal(k3, (VOCAB, DIM), dtype=jnp.float32)
    selector_table = jnp.array([[SELECTOR_VALUE, 0.0], [0.0, SELECTOR_VALUE]], dtype=jnp.float32)
    return {"vocab_ids": vocab_ids, "selector_ids": selector_ids, "table": table, "selector_table": selector_table}


def reference(vocab_ids, selector_ids, table, selector_table):
    embeddings = jnp.take(table, vocab_ids, axis=0)            # [N, DIM]
    selector_embeddings = jnp.take(selector_table, selector_ids, axis=0)  # [N, 2]
    return jnp.concatenate((embeddings, selector_embeddings), axis=1)     # [N, DIM + 2]

if __name__ == "__main__":
    import jax
    _d = setup_inputs()
    print(jax.jit(kernel)(*tuple(_d.values())))

</pallas_src>

<mosaic_0001>
#map = affine_map<(d0, d1) -> (0)>
#map1 = affine_map<(d0, d1) -> (0, 0)>
module attributes {stable_mosaic.version = 14 : i64} {
  func.func @_emb_kernel(%arg0: i32, %arg1: i32, %arg2: memref<16384xi32, #tpu.memory_space<hbm>>, %arg3: memref<16384xi32, #tpu.memory_space<hbm>>, %arg4: memref<96xi32, #tpu.memory_space<hbm>>, %arg5: memref<16384xf32, #tpu.memory_space<hbm>>, %arg6: memref<64xf32, #tpu.memory_space<hbm>>, %arg7: memref<64x64xf32, #tpu.memory_space<hbm>>, %arg8: memref<64x1000000xf32, #tpu.memory_space<hbm>>, %arg9: memref<66x16384xf32, #tpu.memory_space<hbm>>, %arg10: memref<16384xi32, #tpu.memory_space<vmem>>, %arg11: memref<16384xi32, #tpu.memory_space<vmem>>, %arg12: memref<96xi32, #tpu.memory_space<vmem>>, %arg13: memref<64xf32, #tpu.memory_space<vmem>>, %arg14: memref<2x64xf32, #tpu.memory_space<vmem>>, %arg15: memref<2x10752xf32, #tpu.memory_space<vmem>>, %arg16: memref<2x10752xf32, #tpu.memory_space<vmem>>, %arg17: memref<2x10752xf32, #tpu.memory_space<vmem>>, %arg18: memref<2x16384xf32, #tpu.memory_space<vmem>>, %arg19: memref<!tpu.dma_semaphore, #tpu.memory_space<semaphore_mem>>, %arg20: memref<!tpu.dma_semaphore, #tpu.memory_space<semaphore_mem>>, %arg21: memref<!tpu.dma_semaphore, #tpu.memory_space<semaphore_mem>>) attributes {dimension_semantics = [#tpu.dimension_semantics<core_parallel>, #tpu.dimension_semantics<subcore_parallel>], iteration_bounds = array<i64: 2, 16>, scalar_prefetch = 0 : i64, scratch_operands = 12 : i64, tpu.core_type = #tpu.core_type<sc_vector_subcore>, window_params = [{transform_indices = #map}, {transform_indices = #map}, {transform_indices = #map}, {transform_indices = #map}, {transform_indices = #map}, {transform_indices = #map1}, {transform_indices = #map1}, {transform_indices = #map1}]} {
    %mul3A = arith.constant 2 : i32
    %mul3A_0 = arith.muli %arg1, %mul3A : i32
    %add3A = arith.addi %mul3A_0, %arg0 : i32
    %mul3A_1 = arith.constant 2 : i32
    %mul3A_2 = arith.muli %mul3A_1, %add3A : i32
    "tpu.region"() ({
      %run_scoped3A = tpu.sem_alloc : memref<!tpu.dma_semaphore, #tpu.memory_space<semaphore_mem>>
      tpu.enqueue_dma source(%arg2 : memref<16384xi32, #tpu.memory_space<hbm>>) target(%arg10 : memref<16384xi32, #tpu.memory_space<vmem>>) target_semaphore(%run_scoped3A : memref<!tpu.dma_semaphore, #tpu.memory_space<semaphore_mem>>)
      tpu.wait_dma2 semaphore(%run_scoped3A : memref<!tpu.dma_semaphore, #tpu.memory_space<semaphore_mem>>) src(%arg2 : memref<16384xi32, #tpu.memory_space<hbm>>) dst(%arg10 : memref<16384xi32, #tpu.memory_space<vmem>>)
      tpu.yield
    }) : () -> ()
    "tpu.region"() ({
      %run_scoped3A = tpu.sem_alloc : memref<!tpu.dma_semaphore, #tpu.memory_space<semaphore_mem>>
      tpu.enqueue_dma source(%arg3 : memref<16384xi32, #tpu.memory_space<hbm>>) target(%arg11 : memref<16384xi32, #tpu.memory_space<vmem>>) target_semaphore(%run_scoped3A : memref<!tpu.dma_semaphore, #tpu.memory_space<semaphore_mem>>)
      tpu.wait_dma2 semaphore(%run_scoped3A : memref<!tpu.dma_semaphore, #tpu.memory_space<semaphore_mem>>) src(%arg3 : memref<16384xi32, #tpu.memory_space<hbm>>) dst(%arg11 : memref<16384xi32, #tpu.memory_space<vmem>>)
      tpu.yield
    }) : () -> ()
    "tpu.region"() ({
      %run_scoped3A = tpu.sem_alloc : memref<!tpu.dma_semaphore, #tpu.memory_space<semaphore_mem>>
      tpu.enqueue_dma source(%arg4 : memref<96xi32, #tpu.memory_space<hbm>>) target(%arg12 : memref<96xi32, #tpu.memory_space<vmem>>) target_semaphore(%run_scoped3A : memref<!tpu.dma_semaphore, #tpu.memory_space<semaphore_mem>>)
      tpu.wait_dma2 semaphore(%run_scoped3A : memref<!tpu.dma_semaphore, #tpu.memory_space<semaphore_mem>>) src(%arg4 : memref<96xi32, #tpu.memory_space<hbm>>) dst(%arg12 : memref<96xi32, #tpu.memory_space<vmem>>)
      tpu.yield
    }) : () -> ()
    "tpu.region"() ({
      %run_scoped3A = tpu.sem_alloc : memref<!tpu.dma_semaphore, #tpu.memory_space<semaphore_mem>>
      tpu.enqueue_dma source(%arg6 : memref<64xf32, #tpu.memory_space<hbm>>) target(%arg13 : memref<64xf32, #tpu.memory_space<vmem>>) target_semaphore(%run_scoped3A : memref<!tpu.dma_semaphore, #tpu.memory_space<semaphore_mem>>)
      tpu.wait_dma2 semaphore(%run_scoped3A : memref<!tpu.dma_semaphore, #tpu.memory_space<semaphore_mem>>) src(%arg6 : memref<64xf32, #tpu.memory_space<hbm>>) dst(%arg13 : memref<64xf32, #tpu.memory_space<vmem>>)
      tpu.yield
    }) : () -> ()
    "tpu.region"() ({
      %run_scoped3A = tpu.sem_alloc : memref<!tpu.dma_semaphore, #tpu.memory_space<semaphore_mem>>
      %dma_start3A_51 = arith.constant 0 : i32
      %dma_start3A_52 = tpu.memref_slice %arg7[%mul3A_2, %dma_start3A_51] : memref<64x64xf32, #tpu.memory_space<hbm>> -> memref<2x64xf32, #tpu.memory_space<hbm>>
      %dma_start3A_53 = arith.constant 0 : i32
      %dma_start3A_54 = tpu.memref_slice %arg7[%mul3A_2, %dma_start3A_53] : memref<64x64xf32, #tpu.memory_space<hbm>> -> memref<2x64xf32, #tpu.memory_space<hbm>>
      tpu.enqueue_dma source(%dma_start3A_54 : memref<2x64xf32, #tpu.memory_space<hbm>>) target(%arg14 : memref<2x64xf32, #tpu.memory_space<vmem>>) target_semaphore(%run_scoped3A : memref<!tpu.dma_semaphore, #tpu.memory_space<semaphore_mem>>)
      %dma_wait3A = arith.constant 0 : i32
      %dma_wait3A_55 = tpu.memref_slice %arg7[%mul3A_2, %dma_wait3A] : memref<64x64xf32, #tpu.memory_space<hbm>> -> memref<2x64xf32, #tpu.memory_space<hbm>>
      %dma_wait3A_56 = arith.constant 0 : i32
      %dma_wait3A_57 = tpu.memref_slice %arg7[%mul3A_2, %dma_wait3A_56] : memref<64x64xf32, #tpu.memory_space<hbm>> -> memref<2x64xf32, #tpu.memory_space<hbm>>
      tpu.wait_dma2 semaphore(%run_scoped3A : memref<!tpu.dma_semaphore, #tpu.memory_space<semaphore_mem>>) src(%dma_wait3A_57 : memref<2x64xf32, #tpu.memory_space<hbm>>) dst(%arg14 : memref<2x64xf32, #tpu.memory_space<vmem>>)
      tpu.yield
    }) : () -> ()
    %iota3A = tpu.iota {dimensions = array<i32: 0>} : vector<16xi32>
    %mul3A_3 = arith.constant 0 : i32
    %mul3A_4 = vector.broadcast %mul3A_3 : i32 to vector<16xi32>
    %mul3A_5 = arith.muli %iota3A, %mul3A_4 : vector<16xi32>
    %add3A_6 = arith.constant 1 : i32
    %add3A_7 = vector.broadcast %add3A_6 : i32 to vector<16xi32>
    %add3A_8 = arith.addi %mul3A_5, %add3A_7 : vector<16xi32>
    %dma_start3A = arith.constant 0 : i32
    %dma_start3A_9 = tpu.memref_slice %arg8[%mul3A_2, %dma_start3A] : memref<64x1000000xf32, #tpu.memory_space<hbm>> -> memref<2x10752xf32, #tpu.memory_space<hbm>>
    %dma_start3A_10 = arith.constant 0 : i32
    %dma_start3A_11 = tpu.memref_slice %arg8[%mul3A_2, %dma_start3A_10] : memref<64x1000000xf32, #tpu.memory_space<hbm>> -> memref<2x10752xf32, #tpu.memory_space<hbm>>
    tpu.enqueue_dma source(%dma_start3A_11 : memref<2x10752xf32, #tpu.memory_space<hbm>>) target(%arg15 : memref<2x10752xf32, #tpu.memory_space<vmem>>) target_semaphore(%arg19 : memref<!tpu.dma_semaphore, #tpu.memory_space<semaphore_mem>>)
    %dma_start3A_12 = arith.constant 10752 : i32
    %dma_start3A_13 = tpu.memref_slice %arg8[%mul3A_2, %dma_start3A_12] : memref<64x1000000xf32, #tpu.memory_space<hbm>> -> memref<2x10752xf32, #tpu.memory_space<hbm>>
    %dma_start3A_14 = arith.constant 10752 : i32
    %dma_start3A_15 = tpu.memref_slice %arg8[%mul3A_2, %dma_start3A_14] : memref<64x1000000xf32, #tpu.memory_space<hbm>> -> memref<2x10752xf32, #tpu.memory_space<hbm>>
    tpu.enqueue_dma source(%dma_start3A_15 : memref<2x10752xf32, #tpu.memory_space<hbm>>) target(%arg16 : memref<2x10752xf32, #tpu.memory_space<vmem>>) target_semaphore(%arg20 : memref<!tpu.dma_semaphore, #tpu.memory_space<semaphore_mem>>)
    %scan3A = arith.constant 0 : i32
    %scan3A_16 = arith.constant 0 : i32
    %scan3A_17 = arith.constant 31 : i32
    %scan3A_18 = arith.addi %scan3A_16, %scan3A_17 : i32
    %scan3A_19 = arith.constant 1 : i32
    %scan3A_20 = scf.for %scan3A_51 = %scan3A_16 to %scan3A_18 step %scan3A_19 iter_args(%scan3A_52 = %scan3A) -> (i32)  : i32 {
      %mul3A_53 = arith.constant 3 : i32
      %mul3A_54 = arith.muli %mul3A_53, %scan3A_51 : i32
      %add3A_55 = arith.constant 0 : i32
      %add3A_56 = arith.addi %mul3A_54, %add3A_55 : i32
      %dma_wait3A = arith.constant 0 : i32
      %dma_wait3A_57 = arith.constant 0 : i32
      %dma_wait3A_58 = tpu.memref_slice %arg8[%dma_wait3A, %dma_wait3A_57] : memref<64x1000000xf32, #tpu.memory_space<hbm>> -> memref<2x10752xf32, #tpu.memory_space<hbm>>
      %dma_wait3A_59 = arith.constant 0 : i32
      %dma_wait3A_60 = arith.constant 0 : i32
      %dma_wait3A_61 = tpu.memref_slice %arg8[%dma_wait3A_59, %dma_wait3A_60] : memref<64x1000000xf32, #tpu.memory_space<hbm>> -> memref<2x10752xf32, #tpu.memory_space<hbm>>
      tpu.wait_dma2 semaphore(%arg19 : memref<!tpu.dma_semaphore, #tpu.memory_space<semaphore_mem>>) src(%dma_wait3A_61 : memref<2x10752xf32, #tpu.memory_space<hbm>>) dst(%arg15 : memref<2x10752xf32, #tpu.memory_space<vmem>>)
      %add3A_62 = arith.constant 2 : i32
      %add3A_63 = arith.addi %add3A_56, %add3A_62 : i32
      %lt3A_64 = arith.constant 93 : i32
      %lt3A_65 = arith.cmpi slt, %add3A_63, %lt3A_64 : i32
      %convert_element_type3A_66 = arith.extui %lt3A_65 : i1 to i32
      %cond3A_67 = arith.constant 0 : i32
      %cond3A_68 = arith.cmpi ne, %convert_element_type3A_66, %cond3A_67 : i32
      scf.if %cond3A_68 {
        %add3A_303 = arith.constant 2 : i32
        %add3A_304 = arith.addi %add3A_56, %add3A_303 : i32
        %mul3A_305 = arith.constant 10752 : i32
        %mul3A_306 = arith.muli %add3A_304, %mul3A_305 : i32
        %dma_start3A_307 = tpu.memref_slice %arg8[%mul3A_2, %mul3A_306] : memref<64x1000000xf32, #tpu.memory_space<hbm>> -> memref<2x10752xf32, #tpu.memory_space<hbm>>
        %dma_start3A_308 = tpu.memref_slice %arg8[%mul3A_2, %mul3A_306] : memref<64x1000000xf32, #tpu.memory_space<hbm>> -> memref<2x10752xf32, #tpu.memory_space<hbm>>
        tpu.enqueue_dma source(%dma_start3A_308 : memref<2x10752xf32, #tpu.memory_space<hbm>>) target(%arg17 : memref<2x10752xf32, #tpu.memory_space<vmem>>) target_semaphore(%arg21 : memref<!tpu.dma_semaphore, #tpu.memory_space<semaphore_mem>>)
      } else {
      }
      %add3A_69 = arith.constant 1 : i32
      %add3A_70 = arith.addi %add3A_56, %add3A_69 : i32
      %jit3A_71 = arith.constant 16 : i32
      %div3A = arith.divsi %add3A_70, %jit3A_71 : i32
      %sign3A = arith.constant 0 : i32
      %sign3A_72 = arith.cmpi sgt, %add3A_70, %sign3A : i32
      %sign3A_73 = arith.extui %sign3A_72 : i1 to i32
      %sign3A_74 = arith.constant 0 : i32
      %sign3A_75 = arith.cmpi slt, %add3A_70, %sign3A_74 : i32
      %sign3A_76 = arith.extui %sign3A_75 : i1 to i32
      %sign3A_77 = arith.subi %sign3A_73, %sign3A_76 : i32
      %sign3A_78 = arith.constant 0 : i32
      %sign3A_79 = arith.cmpi sgt, %jit3A_71, %sign3A_78 : i32
      %sign3A_80 = arith.extui %sign3A_79 : i1 to i32
      %sign3A_81 = arith.constant 0 : i32
      %sign3A_82 = arith.cmpi slt, %jit3A_71, %sign3A_81 : i32
      %sign3A_83 = arith.extui %sign3A_82 : i1 to i32
      %sign3A_84 = arith.subi %sign3A_80, %sign3A_83 : i32
      %ne3A = arith.cmpi ne, %sign3A_77, %sign3A_84 : i32
      %rem3A = arith.remsi %add3A_70, %jit3A_71 : i32
      %ne3A_85 = arith.constant 0 : i32
      %ne3A_86 = arith.cmpi ne, %rem3A, %ne3A_85 : i32
      %and3A = arith.andi %ne3A, %ne3A_86 : i1
      %sub3A = arith.constant 1 : i32
      %sub3A_87 = arith.subi %div3A, %sub3A : i32
      %select_n3A_88 = arith.select %and3A, %sub3A_87, %div3A : i32
      %mul3A_89 = arith.constant 16 : i32
      %mul3A_90 = arith.muli %mul3A_89, %select_n3A_88 : i32
      %get3A_91 = arith.index_cast %mul3A_90 : i32 to index
      %get3A_92 = tpu.vector_load %arg12[%get3A_91] {strides = array<i32>} : memref<96xi32, #tpu.memory_space<vmem>>, vector<16xi32>,
      %jit3A_93 = arith.constant 16 : i32
      %eq3A_94 = arith.constant 0 : i32
      %eq3A_95 = arith.cmpi eq, %jit3A_93, %eq3A_94 : i32
      %jit3A_96 = arith.constant 1 : i32
      %select_n3A_97 = arith.select %eq3A_95, %jit3A_96, %jit3A_93 : i32
      %rem3A_98 = arith.remsi %add3A_70, %select_n3A_97 : i32
      %ne3A_99 = arith.constant 0 : i32
      %ne3A_100 = arith.cmpi ne, %rem3A_98, %ne3A_99 : i32
      %lt3A_101 = arith.constant 0 : i32
      %lt3A_102 = arith.cmpi slt, %rem3A_98, %lt3A_101 : i32
      %lt3A_103 = arith.constant 0 : i32
      %lt3A_104 = arith.cmpi slt, %select_n3A_97, %lt3A_103 : i32
      %ne3A_105 = arith.xori %lt3A_102, %lt3A_104 : i1
      %and3A_106 = arith.andi %ne3A_105, %ne3A_100 : i1
      %add3A_107 = arith.addi %rem3A_98, %select_n3A_97 : i32
      %select_n3A_108 = arith.select %and3A_106, %add3A_107, %rem3A_98 : i32
      %eq3A_109 = vector.broadcast %select_n3A_108 : i32 to vector<16xi32>
      %eq3A_110 = arith.cmpi eq, %iota3A, %eq3A_109 : vector<16xi32>
      %jit3A_111 = arith.constant 0 : i32
      %broadcast_in_dim3A_112 = vector.broadcast %jit3A_111 : i32 to vector<16xi32>
      %select_n3A_113 = arith.select %eq3A_110, %get3A_92, %broadcast_in_dim3A_112 : vector<16xi1>, vector<16xi32>
      %reduce_sum3A_114 = arith.constant true
      %reduce_sum3A_115 = vector.broadcast %reduce_sum3A_114 : i1 to vector<16xi1>
      %reduce_sum3A_116 = tpu.scan <sum>, %select_n3A_113 masked %reduce_sum3A_115 : vector<16xi32>, vector<16xi1> -> vector<16xi32>
      %reduce_sum3A_117 = vector.extract %reduce_sum3A_116[15] : i32 from vector<16xi32>
      %shift_right_arithmetic3A_118 = arith.constant 5 : i32
      %shift_right_arithmetic3A_119 = arith.shrsi %scan3A_52, %shift_right_arithmetic3A_118 : i32
      %add3A_120 = arith.constant 31 : i32
      %add3A_121 = arith.addi %reduce_sum3A_117, %add3A_120 : i32
      %shift_right_arithmetic3A_122 = arith.constant 5 : i32
      %shift_right_arithmetic3A_123 = arith.shrsi %add3A_121, %shift_right_arithmetic3A_122 : i32
      %while3A_124 = arith.constant 0 : i32
      %while3A_125 = arith.subi %shift_right_arithmetic3A_123, %shift_right_arithmetic3A_119 : i32
      %while3A_126 = arith.addi %shift_right_arithmetic3A_119, %while3A_125 : i32
      %while3A_127 = arith.constant 1 : i32
      %while3A_128 = arith.divsi %while3A_125, %while3A_127 : i32
      %while3A_129 = arith.muli %while3A_128, %while3A_127 : i32
      %while3A_130 = arith.addi %shift_right_arithmetic3A_119, %while3A_129 : i32
      %while3A_131 = arith.constant 1 : i32
      scf.for %while3A_303 = %shift_right_arithmetic3A_119 to %while3A_130 step %while3A_131  : i32 {
        %mul3A_304 = arith.constant 2 : i32
        %mul3A_305 = arith.muli %mul3A_304, %while3A_303 : i32
        %mul3A_306 = arith.constant 16 : i32
        %mul3A_307 = arith.muli %mul3A_305, %mul3A_306 : i32
        %add3A_308 = vector.broadcast %mul3A_307 : i32 to vector<16xi32>
        %add3A_309 = arith.addi %add3A_308, %iota3A : vector<16xi32>
        %ge3A = vector.broadcast %scan3A_52 : i32 to vector<16xi32>
        %ge3A_310 = arith.cmpi sge, %add3A_309, %ge3A : vector<16xi32>
        %lt3A_311 = vector.broadcast %reduce_sum3A_117 : i32 to vector<16xi32>
        %lt3A_312 = arith.cmpi slt, %add3A_309, %lt3A_311 : vector<16xi32>
        %and3A_313 = arith.andi %ge3A_310, %lt3A_312 : vector<16xi1>
        %mul3A_314 = arith.constant 16 : i32
        %mul3A_315 = arith.muli %mul3A_305, %mul3A_314 : i32
        %get3A_316 = arith.index_cast %mul3A_315 : i32 to index
        %get3A_317 = tpu.vector_load %arg10[%get3A_316] {strides = array<i32>} : memref<16384xi32, #tpu.memory_space<vmem>>, vector<16xi32>,
        %mul3A_318 = arith.constant 16 : i32
        %mul3A_319 = arith.muli %mul3A_305, %mul3A_318 : i32
        %get3A_320 = arith.index_cast %mul3A_319 : i32 to index
        %get3A_321 = tpu.vector_load %arg11[%get3A_320] {strides = array<i32>} : memref<16384xi32, #tpu.memory_space<vmem>>, vector<16xi32>,
        %mul3A_322 = arith.constant 10752 : i32
        %mul3A_323 = arith.muli %add3A_56, %mul3A_322 : i32
        %sub3A_324 = vector.broadcast %mul3A_323 : i32 to vector<16xi32>
        %sub3A_325 = arith.subi %get3A_317, %sub3A_324 : vector<16xi32>
        %jit3A_326 = arith.constant 0 : i32
        %jit3A_327 = arith.constant 10751 : i32
        %max3A = vector.broadcast %jit3A_326 : i32 to vector<16xi32>
        %max3A_328 = arith.maxsi %max3A, %sub3A_325 : vector<16xi32>
        %min3A = vector.broadcast %jit3A_327 : i32 to vector<16xi32>
        %min3A_329 = arith.minsi %min3A, %max3A_328 : vector<16xi32>
        %gather3A = tpu.vector_load_idx %arg15[%mul3A_5, %min3A_329] : memref<2x10752xf32, #tpu.memory_space<vmem>>[vector<16xi32>, vector<16xi32>], vector<16xf32>,
        %gather3A_330 = tpu.vector_load_idx %arg15[%add3A_8, %min3A_329] : memref<2x10752xf32, #tpu.memory_space<vmem>>[vector<16xi32>, vector<16xi32>], vector<16xf32>,
        tpu.vector_store_idx %arg18[%mul3A_5, %get3A_321], %gather3A masked %and3A_313 : memref<2x16384xf32, #tpu.memory_space<vmem>>[vector<16xi32>, vector<16xi32>], vector<16xf32>, vector<16xi1>
        tpu.vector_store_idx %arg18[%add3A_8, %get3A_321], %gather3A_330 masked %and3A_313 : memref<2x16384xf32, #tpu.memory_space<vmem>>[vector<16xi32>, vector<16xi32>], vector<16xf32>, vector<16xi1>
        %mul3A_331 = arith.constant 2 : i32
        %mul3A_332 = arith.muli %mul3A_331, %while3A_303 : i32
        %add3A_333 = arith.constant 1 : i32
        %add3A_334 = arith.addi %mul3A_332, %add3A_333 : i32
        %mul3A_335 = arith.constant 16 : i32
        %mul3A_336 = arith.muli %add3A_334, %mul3A_335 : i32
        %add3A_337 = vector.broadcast %mul3A_336 : i32 to vector<16xi32>
        %add3A_338 = arith.addi %add3A_337, %iota3A : vector<16xi32>
        %ge3A_339 = vector.broadcast %scan3A_52 : i32 to vector<16xi32>
        %ge3A_340 = arith.cmpi sge, %add3A_338, %ge3A_339 : vector<16xi32>
        %lt3A_341 = vector.broadcast %reduce_sum3A_117 : i32 to vector<16xi32>
        %lt3A_342 = arith.cmpi slt, %add3A_338, %lt3A_341 : vector<16xi32>
        %and3A_343 = arith.andi %ge3A_340, %lt3A_342 : vector<16xi1>
        %mul3A_344 = arith.constant 16 : i32
        %mul3A_345 = arith.muli %add3A_334, %mul3A_344 : i32
        %get3A_346 = arith.index_cast %mul3A_345 : i32 to index
        %get3A_347 = tpu.vector_load %arg10[%get3A_346] {strides = array<i32>} : memref<16384xi32, #tpu.memory_space<vmem>>, vector<16xi32>,
        %mul3A_348 = arith.constant 16 : i32
        %mul3A_349 = arith.muli %add3A_334, %mul3A_348 : i32
        %get3A_350 = arith.index_cast %mul3A_349 : i32 to index
        %get3A_351 = tpu.vector_load %arg11[%get3A_350] {strides = array<i32>} : memref<16384xi32, #tpu.memory_space<vmem>>, vector<16xi32>,
        %mul3A_352 = arith.constant 10752 : i32
        %mul3A_353 = arith.muli %add3A_56, %mul3A_352 : i32
        %sub3A_354 = vector.broadcast %mul3A_353 : i32 to vector<16xi32>
        %sub3A_355 = arith.subi %get3A_347, %sub3A_354 : vector<16xi32>
        %jit3A_356 = arith.constant 0 : i32
        %jit3A_357 = arith.constant 10751 : i32
        %max3A_358 = vector.broadcast %jit3A_356 : i32 to vector<16xi32>
        %max3A_359 = arith.maxsi %max3A_358, %sub3A_355 : vector<16xi32>
        %min3A_360 = vector.broadcast %jit3A_357 : i32 to vector<16xi32>
        %min3A_361 = arith.minsi %min3A_360, %max3A_359 : vector<16xi32>
        %gather3A_362 = tpu.vector_load_idx %arg15[%mul3A_5, %min3A_361] : memref<2x10752xf32, #tpu.memory_space<vmem>>[vector<16xi32>, vector<16xi32>], vector<16xf32>,
        %gather3A_363 = tpu.vector_load_idx %arg15[%add3A_8, %min3A_361] : memref<2x10752xf32, #tpu.memory_space<vmem>>[vector<16xi32>, vector<16xi32>], vector<16xf32>,
        tpu.vector_store_idx %arg18[%mul3A_5, %get3A_351], %gather3A_362 masked %and3A_343 : memref<2x16384xf32, #tpu.memory_space<vmem>>[vector<16xi32>, vector<16xi32>], vector<16xf32>, vector<16xi1>
        tpu.vector_store_idx %arg18[%add3A_8, %get3A_351], %gather3A_363 masked %and3A_343 : memref<2x16384xf32, #tpu.memory_space<vmem>>[vector<16xi32>, vector<16xi32>], vector<16xf32>, vector<16xi1>
      }
      %while3A_132 = arith.constant 1 : i32
      scf.for %while3A_303 = %while3A_130 to %while3A_126 step %while3A_132  : i32 {
        %mul3A_304 = arith.constant 2 : i32
        %mul3A_305 = arith.muli %mul3A_304, %while3A_303 : i32
        %mul3A_306 = arith.constant 16 : i32
        %mul3A_307 = arith.muli %mul3A_305, %mul3A_306 : i32
        %add3A_308 = vector.broadcast %mul3A_307 : i32 to vector<16xi32>
        %add3A_309 = arith.addi %add3A_308, %iota3A : vector<16xi32>
        %ge3A = vector.broadcast %scan3A_52 : i32 to vector<16xi32>
        %ge3A_310 = arith.cmpi sge, %add3A_309, %ge3A : vector<16xi32>
        %lt3A_311 = vector.broadcast %reduce_sum3A_117 : i32 to vector<16xi32>
        %lt3A_312 = arith.cmpi slt, %add3A_309, %lt3A_311 : vector<16xi32>
        %and3A_313 = arith.andi %ge3A_310, %lt3A_312 : vector<16xi1>
        %mul3A_314 = arith.constant 16 : i32
        %mul3A_315 = arith.muli %mul3A_305, %mul3A_314 : i32
        %get3A_316 = arith.index_cast %mul3A_315 : i32 to index
        %get3A_317 = tpu.vector_load %arg10[%get3A_316] {strides = array<i32>} : memref<16384xi32, #tpu.memory_space<vmem>>, vector<16xi32>,
        %mul3A_318 = arith.constant 16 : i32
        %mul3A_319 = arith.muli %mul3A_305, %mul3A_318 : i32
        %get3A_320 = arith.index_cast %mul3A_319 : i32 to index
        %get3A_321 = tpu.vector_load %arg11[%get3A_320] {strides = array<i32>} : memref<16384xi32, #tpu.memory_space<vmem>>, vector<16xi32>,
        %mul3A_322 = arith.constant 10752 : i32
        %mul3A_323 = arith.muli %add3A_56, %mul3A_322 : i32
        %sub3A_324 = vector.broadcast %mul3A_323 : i32 to vector<16xi32>
        %sub3A_325 = arith.subi %get3A_317, %sub3A_324 : vector<16xi32>
        %jit3A_326 = arith.constant 0 : i32
        %jit3A_327 = arith.constant 10751 : i32
        %max3A = vector.broadcast %jit3A_326 : i32 to vector<16xi32>
        %max3A_328 = arith.maxsi %max3A, %sub3A_325 : vector<16xi32>
        %min3A = vector.broadcast %jit3A_327 : i32 to vector<16xi32>
        %min3A_329 = arith.minsi %min3A, %max3A_328 : vector<16xi32>
        %gather3A = tpu.vector_load_idx %arg15[%mul3A_5, %min3A_329] : memref<2x10752xf32, #tpu.memory_space<vmem>>[vector<16xi32>, vector<16xi32>], vector<16xf32>,
        %gather3A_330 = tpu.vector_load_idx %arg15[%add3A_8, %min3A_329] : memref<2x10752xf32, #tpu.memory_space<vmem>>[vector<16xi32>, vector<16xi32>], vector<16xf32>,
        tpu.vector_store_idx %arg18[%mul3A_5, %get3A_321], %gather3A masked %and3A_313 : memref<2x16384xf32, #tpu.memory_space<vmem>>[vector<16xi32>, vector<16xi32>], vector<16xf32>, vector<16xi1>
        tpu.vector_store_idx %arg18[%add3A_8, %get3A_321], %gather3A_330 masked %and3A_313 : memref<2x16384xf32, #tpu.memory_space<vmem>>[vector<16xi32>, vector<16xi32>], vector<16xf32>, vector<16xi1>
        %mul3A_331 = arith.constant 2 : i32
        %mul3A_332 = arith.muli %mul3A_331, %while3A_303 : i32
        %add3A_333 = arith.constant 1 : i32
        %add3A_334 = arith.addi %mul3A_332, %add3A_333 : i32
        %mul3A_335 = arith.constant 16 : i32
        %mul3A_336 = arith.muli %add3A_334, %mul3A_335 : i32
        %add3A_337 = vector.broadcast %mul3A_336 : i32 to vector<16xi32>
        %add3A_338 = arith.addi %add3A_337, %iota3A : vector<16xi32>
        %ge3A_339 = vector.broadcast %scan3A_52 : i32 to vector<16xi32>
        %ge3A_340 = arith.cmpi sge, %add3A_338, %ge3A_339 : vector<16xi32>
        %lt3A_341 = vector.broadcast %reduce_sum3A_117 : i32 to vector<16xi32>
        %lt3A_342 = arith.cmpi slt, %add3A_338, %lt3A_341 : vector<16xi32>
        %and3A_343 = arith.andi %ge3A_340, %lt3A_342 : vector<16xi1>
        %mul3A_344 = arith.constant 16 : i32
        %mul3A_345 = arith.muli %add3A_334, %mul3A_344 : i32
        %get3A_346 = arith.index_cast %mul3A_345 : i32 to index
        %get3A_347 = tpu.vector_load %arg10[%get3A_346] {strides = array<i32>} : memref<16384xi32, #tpu.memory_space<vmem>>, vector<16xi32>,
        %mul3A_348 = arith.constant 16 : i32
        %mul3A_349 = arith.muli %add3A_334, %mul3A_348 : i32
        %get3A_350 = arith.index_cast %mul3A_349 : i32 to index
        %get3A_351 = tpu.vector_load %arg11[%get3A_350] {strides = array<i32>} : memref<16384xi32, #tpu.memory_space<vmem>>, vector<16xi32>,
        %mul3A_352 = arith.constant 10752 : i32
        %mul3A_353 = arith.muli %add3A_56, %mul3A_352 : i32
        %sub3A_354 = vector.broadcast %mul3A_353 : i32 to vector<16xi32>
        %sub3A_355 = arith.subi %get3A_347, %sub3A_354 : vector<16xi32>
        %jit3A_356 = arith.constant 0 : i32
        %jit3A_357 = arith.constant 10751 : i32
        %max3A_358 = vector.broadcast %jit3A_356 : i32 to vector<16xi32>
        %max3A_359 = arith.maxsi %max3A_358, %sub3A_355 : vector<16xi32>
        %min3A_360 = vector.broadcast %jit3A_357 : i32 to vector<16xi32>
        %min3A_361 = arith.minsi %min3A_360, %max3A_359 : vector<16xi32>
        %gather3A_362 = tpu.vector_load_idx %arg15[%mul3A_5, %min3A_361] : memref<2x10752xf32, #tpu.memory_space<vmem>>[vector<16xi32>, vector<16xi32>], vector<16xf32>,
        %gather3A_363 = tpu.vector_load_idx %arg15[%add3A_8, %min3A_361] : memref<2x10752xf32, #tpu.memory_space<vmem>>[vector<16xi32>, vector<16xi32>], vector<16xf32>,
        tpu.vector_store_idx %arg18[%mul3A_5, %get3A_351], %gather3A_362 masked %and3A_343 : memref<2x16384xf32, #tpu.memory_space<vmem>>[vector<16xi32>, vector<16xi32>], vector<16xf32>, vector<16xi1>
        tpu.vector_store_idx %arg18[%add3A_8, %get3A_351], %gather3A_363 masked %and3A_343 : memref<2x16384xf32, #tpu.memory_space<vmem>>[vector<16xi32>, vector<16xi32>], vector<16xf32>, vector<16xi1>
      }
      %add3A_133 = arith.constant 1 : i32
      %add3A_134 = arith.addi %mul3A_54, %add3A_133 : i32
      %dma_wait3A_135 = arith.constant 0 : i32
      %dma_wait3A_136 = arith.constant 0 : i32
      %dma_wait3A_137 = tpu.memref_slice %arg8[%dma_wait3A_135, %dma_wait3A_136] : memref<64x1000000xf32, #tpu.memory_space<hbm>> -> memref<2x10752xf32, #tpu.memory_space<hbm>>
      %dma_wait3A_138 = arith.constant 0 : i32
      %dma_wait3A_139 = arith.constant 0 : i32
      %dma_wait3A_140 = tpu.memref_slice %arg8[%dma_wait3A_138, %dma_wait3A_139] : memref<64x1000000xf32, #tpu.memory_space<hbm>> -> memref<2x10752xf32, #tpu.memory_space<hbm>>
      tpu.wait_dma2 semaphore(%arg20 : memref<!tpu.dma_semaphore, #tpu.memory_space<semaphore_mem>>) src(%dma_wait3A_140 : memref<2x10752xf32, #tpu.memory_space<hbm>>) dst(%arg16 : memref<2x10752xf32, #tpu.memory_space<vmem>>)
      %add3A_141 = arith.constant 2 : i32
      %add3A_142 = arith.addi %add3A_134, %add3A_141 : i32
      %lt3A_143 = arith.constant 93 : i32
      %lt3A_144 = arith.cmpi slt, %add3A_142, %lt3A_143 : i32
      %convert_element_type3A_145 = arith.extui %lt3A_144 : i1 to i32
      %cond3A_146 = arith.constant 0 : i32
      %cond3A_147 = arith.cmpi ne, %convert_element_type3A_145, %cond3A_146 : i32
      scf.if %cond3A_147 {
        %add3A_303 = arith.constant 2 : i32
        %add3A_304 = arith.addi %add3A_134, %add3A_303 : i32
        %mul3A_305 = arith.constant 10752 : i32
        %mul3A_306 = arith.muli %add3A_304, %mul3A_305 : i32
        %dma_start3A_307 = tpu.memref_slice %arg8[%mul3A_2, %mul3A_306] : memref<64x1000000xf32, #tpu.memory_space<hbm>> -> memref<2x10752xf32, #tpu.memory_space<hbm>>
        %dma_start3A_308 = tpu.memref_slice %arg8[%mul3A_2, %mul3A_306] : memref<64x1000000xf32, #tpu.memory_space<hbm>> -> memref<2x10752xf32, #tpu.memory_space<hbm>>
        tpu.enqueue_dma source(%dma_start3A_308 : memref<2x10752xf32, #tpu.memory_space<hbm>>) target(%arg15 : memref<2x10752xf32, #tpu.memory_space<vmem>>) target_semaphore(%arg19 : memref<!tpu.dma_semaphore, #tpu.memory_space<semaphore_mem>>)
      } else {
      }
      %add3A_148 = arith.constant 1 : i32
      %add3A_149 = arith.addi %add3A_134, %add3A_148 : i32
      %jit3A_150 = arith.constant 16 : i32
      %div3A_151 = arith.divsi %add3A_149, %jit3A_150 : i32
      %sign3A_152 = arith.constant 0 : i32
      %sign3A_153 = arith.cmpi sgt, %add3A_149, %sign3A_152 : i32
      %sign3A_154 = arith.extui %sign3A_153 : i1 to i32
      %sign3A_155 = arith.constant 0 : i32
      %sign3A_156 = arith.cmpi slt, %add3A_149, %sign3A_155 : i32
      %sign3A_157 = arith.extui %sign3A_156 : i1 to i32
      %sign3A_158 = arith.subi %sign3A_154, %sign3A_157 : i32
      %sign3A_159 = arith.constant 0 : i32
      %sign3A_160 = arith.cmpi sgt, %jit3A_150, %sign3A_159 : i32
      %sign3A_161 = arith.extui %sign3A_160 : i1 to i32
      %sign3A_162 = arith.constant 0 : i32
      %sign3A_163 = arith.cmpi slt, %jit3A_150, %sign3A_162 : i32
      %sign3A_164 = arith.extui %sign3A_163 : i1 to i32
      %sign3A_165 = arith.subi %sign3A_161, %sign3A_164 : i32
      %ne3A_166 = arith.cmpi ne, %sign3A_158, %sign3A_165 : i32
      %rem3A_167 = arith.remsi %add3A_149, %jit3A_150 : i32
      %ne3A_168 = arith.constant 0 : i32
      %ne3A_169 = arith.cmpi ne, %rem3A_167, %ne3A_168 : i32
      %and3A_170 = arith.andi %ne3A_166, %ne3A_169 : i1
      %sub3A_171 = arith.constant 1 : i32
      %sub3A_172 = arith.subi %div3A_151, %sub3A_171 : i32
      %select_n3A_173 = arith.select %and3A_170, %sub3A_172, %div3A_151 : i32
      %mul3A_174 = arith.constant 16 : i32
      %mul3A_175 = arith.muli %mul3A_174, %select_n3A_173 : i32
      %get3A_176 = arith.index_cast %mul3A_175 : i32 to index
      %get3A_177 = tpu.vector_load %arg12[%get3A_176] {strides = array<i32>} : memref<96xi32, #tpu.memory_space<vmem>>, vector<16xi32>,
      %jit3A_178 = arith.constant 16 : i32
      %eq3A_179 = arith.constant 0 : i32
      %eq3A_180 = arith.cmpi eq, %jit3A_178, %eq3A_179 : i32
      %jit3A_181 = arith.constant 1 : i32
      %select_n3A_182 = arith.select %eq3A_180, %jit3A_181, %jit3A_178 : i32
      %rem3A_183 = arith.remsi %add3A_149, %select_n3A_182 : i32
      %ne3A_184 = arith.constant 0 : i32
      %ne3A_185 = arith.cmpi ne, %rem3A_183, %ne3A_184 : i32
      %lt3A_186 = arith.constant 0 : i32
      %lt3A_187 = arith.cmpi slt, %rem3A_183, %lt3A_186 : i32
      %lt3A_188 = arith.constant 0 : i32
      %lt3A_189 = arith.cmpi slt, %select_n3A_182, %lt3A_188 : i32
      %ne3A_190 = arith.xori %lt3A_187, %lt3A_189 : i1
      %and3A_191 = arith.andi %ne3A_190, %ne3A_185 : i1
      %add3A_192 = arith.addi %rem3A_183, %select_n3A_182 : i32
      %select_n3A_193 = arith.select %and3A_191, %add3A_192, %rem3A_183 : i32
      %eq3A_194 = vector.broadcast %select_n3A_193 : i32 to vector<16xi32>
      %eq3A_195 = arith.cmpi eq, %iota3A, %eq3A_194 : vector<16xi32>
      %jit3A_196 = arith.constant 0 : i32
      %broadcast_in_dim3A_197 = vector.broadcast %jit3A_196 : i32 to vector<16xi32>
      %select_n3A_198 = arith.select %eq3A_195, %get3A_177, %broadcast_in_dim3A_197 : vector<16xi1>, vector<16xi32>
      %reduce_sum3A_199 = arith.constant true
      %reduce_sum3A_200 = vector.broadcast %reduce_sum3A_199 : i1 to vector<16xi1>
      %reduce_sum3A_201 = tpu.scan <sum>, %select_n3A_198 masked %reduce_sum3A_200 : vector<16xi32>, vector<16xi1> -> vector<16xi32>
      %reduce_sum3A_202 = vector.extract %reduce_sum3A_201[15] : i32 from vector<16xi32>
      %shift_right_arithmetic3A_203 = arith.constant 5 : i32
      %shift_right_arithmetic3A_204 = arith.shrsi %reduce_sum3A_117, %shift_right_arithmetic3A_203 : i32
      %add3A_205 = arith.constant 31 : i32
      %add3A_206 = arith.addi %reduce_sum3A_202, %add3A_205 : i32
      %shift_right_arithmetic3A_207 = arith.constant 5 : i32
      %shift_right_arithmetic3A_208 = arith.shrsi %add3A_206, %shift_right_arithmetic3A_207 : i32
      %while3A_209 = arith.constant 0 : i32
      %while3A_210 = arith.subi %shift_right_arithmetic3A_208, %shift_right_arithmetic3A_204 : i32
      %while3A_211 = arith.addi %shift_right_arithmetic3A_204, %while3A_210 : i32
      %while3A_212 = arith.constant 1 : i32
      %while3A_213 = arith.divsi %while3A_210, %while3A_212 : i32
      %while3A_214 = arith.muli %while3A_213, %while3A_212 : i32
      %while3A_215 = arith.addi %shift_right_arithmetic3A_204, %while3A_214 : i32
      %while3A_216 = arith.constant 1 : i32
      scf.for %while3A_303 = %shift_right_arithmetic3A_204 to %while3A_215 step %while3A_216  : i32 {
        %mul3A_304 = arith.constant 2 : i32
        %mul3A_305 = arith.muli %mul3A_304, %while3A_303 : i32
        %mul3A_306 = arith.constant 16 : i32
        %mul3A_307 = arith.muli %mul3A_305, %mul3A_306 : i32
        %add3A_308 = vector.broadcast %mul3A_307 : i32 to vector<16xi32>
        %add3A_309 = arith.addi %add3A_308, %iota3A : vector<16xi32>
        %ge3A = vector.broadcast %reduce_sum3A_117 : i32 to vector<16xi32>
        %ge3A_310 = arith.cmpi sge, %add3A_309, %ge3A : vector<16xi32>
        %lt3A_311 = vector.broadcast %reduce_sum3A_202 : i32 to vector<16xi32>
        %lt3A_312 = arith.cmpi slt, %add3A_309, %lt3A_311 : vector<16xi32>
        %and3A_313 = arith.andi %ge3A_310, %lt3A_312 : vector<16xi1>
        %mul3A_314 = arith.constant 16 : i32
        %mul3A_315 = arith.muli %mul3A_305, %mul3A_314 : i32
        %get3A_316 = arith.index_cast %mul3A_315 : i32 to index
        %get3A_317 = tpu.vector_load %arg10[%get3A_316] {strides = array<i32>} : memref<16384xi32, #tpu.memory_space<vmem>>, vector<16xi32>,
        %mul3A_318 = arith.constant 16 : i32
        %mul3A_319 = arith.muli %mul3A_305, %mul3A_318 : i32
        %get3A_320 = arith.index_cast %mul3A_319 : i32 to index
        %get3A_321 = tpu.vector_load %arg11[%get3A_320] {strides = array<i32>} : memref<16384xi32, #tpu.memory_space<vmem>>, vector<16xi32>,
        %mul3A_322 = arith.constant 10752 : i32
        %mul3A_323 = arith.muli %add3A_134, %mul3A_322 : i32
        %sub3A_324 = vector.broadcast %mul3A_323 : i32 to vector<16xi32>
        %sub3A_325 = arith.subi %get3A_317, %sub3A_324 : vector<16xi32>
        %jit3A_326 = arith.constant 0 : i32
        %jit3A_327 = arith.constant 10751 : i32
        %max3A = vector.broadcast %jit3A_326 : i32 to vector<16xi32>
        %max3A_328 = arith.maxsi %max3A, %sub3A_325 : vector<16xi32>
        %min3A = vector.broadcast %jit3A_327 : i32 to vector<16xi32>
        %min3A_329 = arith.minsi %min3A, %max3A_328 : vector<16xi32>
        %gather3A = tpu.vector_load_idx %arg16[%mul3A_5, %min3A_329] : memref<2x10752xf32, #tpu.memory_space<vmem>>[vector<16xi32>, vector<16xi32>], vector<16xf32>,
        %gather3A_330 = tpu.vector_load_idx %arg16[%add3A_8, %min3A_329] : memref<2x10752xf32, #tpu.memory_space<vmem>>[vector<16xi32>, vector<16xi32>], vector<16xf32>,
        tpu.vector_store_idx %arg18[%mul3A_5, %get3A_321], %gather3A masked %and3A_313 : memref<2x16384xf32, #tpu.memory_space<vmem>>[vector<16xi32>, vector<16xi32>], vector<16xf32>, vector<16xi1>
        tpu.vector_store_idx %arg18[%add3A_8, %get3A_321], %gather3A_330 masked %and3A_313 : memref<2x16384xf32, #tpu.memory_space<vmem>>[vector<16xi32>, vector<16xi32>], vector<16xf32>, vector<16xi1>
        %mul3A_331 = arith.constant 2 : i32
        %mul3A_332 = arith.muli %mul3A_331, %while3A_303 : i32
        %add3A_333 = arith.constant 1 : i32
        %add3A_334 = arith.addi %mul3A_332, %add3A_333 : i32
        %mul3A_335 = arith.constant 16 : i32
        %mul3A_336 = arith.muli %add3A_334, %mul3A_335 : i32
        %add3A_337 = vector.broadcast %mul3A_336 : i32 to vector<16xi32>
        %add3A_338 = arith.addi %add3A_337, %iota3A : vector<16xi32>
        %ge3A_339 = vector.broadcast %reduce_sum3A_117 : i32 to vector<16xi32>
        %ge3A_340 = arith.cmpi sge, %add3A_338, %ge3A_339 : vector<16xi32>
        %lt3A_341 = vector.broadcast %reduce_sum3A_202 : i32 to vector<16xi32>
        %lt3A_342 = arith.cmpi slt, %add3A_338, %lt3A_341 : vector<16xi32>
        %and3A_343 = arith.andi %ge3A_340, %lt3A_342 : vector<16xi1>
        %mul3A_344 = arith.constant 16 : i32
        %mul3A_345 = arith.muli %add3A_334, %mul3A_344 : i32
        %get3A_346 = arith.index_cast %mul3A_345 : i32 to index
        %get3A_347 = tpu.vector_load %arg10[%get3A_346] {strides = array<i32>} : memref<16384xi32, #tpu.memory_space<vmem>>, vector<16xi32>,
        %mul3A_348 = arith.constant 16 : i32
        %mul3A_349 = arith.muli %add3A_334, %mul3A_348 : i32
        %get3A_350 = arith.index_cast %mul3A_349 : i32 to index
        %get3A_351 = tpu.vector_load %arg11[%get3A_350] {strides = array<i32>} : memref<16384xi32, #tpu.memory_space<vmem>>, vector<16xi32>,
        %mul3A_352 = arith.constant 10752 : i32
        %mul3A_353 = arith.muli %add3A_134, %mul3A_352 : i32
        %sub3A_354 = vector.broadcast %mul3A_353 : i32 to vector<16xi32>
        %sub3A_355 = arith.subi %get3A_347, %sub3A_354 : vector<16xi32>
        %jit3A_356 = arith.constant 0 : i32
        %jit3A_357 = arith.constant 10751 : i32
        %max3A_358 = vector.broadcast %jit3A_356 : i32 to vector<16xi32>
        %max3A_359 = arith.maxsi %max3A_358, %sub3A_355 : vector<16xi32>
        %min3A_360 = vector.broadcast %jit3A_357 : i32 to vector<16xi32>
        %min3A_361 = arith.minsi %min3A_360, %max3A_359 : vector<16xi32>
        %gather3A_362 = tpu.vector_load_idx %arg16[%mul3A_5, %min3A_361] : memref<2x10752xf32, #tpu.memory_space<vmem>>[vector<16xi32>, vector<16xi32>], vector<16xf32>,
        %gather3A_363 = tpu.vector_load_idx %arg16[%add3A_8, %min3A_361] : memref<2x10752xf32, #tpu.memory_space<vmem>>[vector<16xi32>, vector<16xi32>], vector<16xf32>,
        tpu.vector_store_idx %arg18[%mul3A_5, %get3A_351], %gather3A_362 masked %and3A_343 : memref<2x16384xf32, #tpu.memory_space<vmem>>[vector<16xi32>, vector<16xi32>], vector<16xf32>, vector<16xi1>
        tpu.vector_store_idx %arg18[%add3A_8, %get3A_351], %gather3A_363 masked %and3A_343 : memref<2x16384xf32, #tpu.memory_space<vmem>>[vector<16xi32>, vector<16xi32>], vector<16xf32>, vector<16xi1>
      }
      %while3A_217 = arith.constant 1 : i32
      scf.for %while3A_303 = %while3A_215 to %while3A_211 step %while3A_217  : i32 {
        %mul3A_304 = arith.constant 2 : i32
        %mul3A_305 = arith.muli %mul3A_304, %while3A_303 : i32
        %mul3A_306 = arith.constant 16 : i32
        %mul3A_307 = arith.muli %mul3A_305, %mul3A_306 : i32
        %add3A_308 = vector.broadcast %mul3A_307 : i32 to vector<16xi32>
        %add3A_309 = arith.addi %add3A_308, %iota3A : vector<16xi32>
        %ge3A = vector.broadcast %reduce_sum3A_117 : i32 to vector<16xi32>
        %ge3A_310 = arith.cmpi sge, %add3A_309, %ge3A : vector<16xi32>
        %lt3A_311 = vector.broadcast %reduce_sum3A_202 : i32 to vector<16xi32>
        %lt3A_312 = arith.cmpi slt, %add3A_309, %lt3A_311 : vector<16xi32>
        %and3A_313 = arith.andi %ge3A_310, %lt3A_312 : vector<16xi1>
        %mul3A_314 = arith.constant 16 : i32
        %mul3A_315 = arith.muli %mul3A_305, %mul3A_314 : i32
        %get3A_316 = arith.index_cast %mul3A_315 : i32 to index
        %get3A_317 = tpu.vector_load %arg10[%get3A_316] {strides = array<i32>} : memref<16384xi32, #tpu.memory_space<vmem>>, vector<16xi32>,
        %mul3A_318 = arith.constant 16 : i32
        %mul3A_319 = arith.muli %mul3A_305, %mul3A_318 : i32
        %get3A_320 = arith.index_cast %mul3A_319 : i32 to index
        %get3A_321 = tpu.vector_load %arg11[%get3A_320] {strides = array<i32>} : memref<16384xi32, #tpu.memory_space<vmem>>, vector<16xi32>,
        %mul3A_322 = arith.constant 10752 : i32
        %mul3A_323 = arith.muli %add3A_134, %mul3A_322 : i32
        %sub3A_324 = vector.broadcast %mul3A_323 : i32 to vector<16xi32>
        %sub3A_325 = arith.subi %get3A_317, %sub3A_324 : vector<16xi32>
        %jit3A_326 = arith.constant 0 : i32
        %jit3A_327 = arith.constant 10751 : i32
        %max3A = vector.broadcast %jit3A_326 : i32 to vector<16xi32>
        %max3A_328 = arith.maxsi %max3A, %sub3A_325 : vector<16xi32>
        %min3A = vector.broadcast %jit3A_327 : i32 to vector<16xi32>
        %min3A_329 = arith.minsi %min3A, %max3A_328 : vector<16xi32>
        %gather3A = tpu.vector_load_idx %arg16[%mul3A_5, %min3A_329] : memref<2x10752xf32, #tpu.memory_space<vmem>>[vector<16xi32>, vector<16xi32>], vector<16xf32>,
        %gather3A_330 = tpu.vector_load_idx %arg16[%add3A_8, %min3A_329] : memref<2x10752xf32, #tpu.memory_space<vmem>>[vector<16xi32>, vector<16xi32>], vector<16xf32>,
        tpu.vector_store_idx %arg18[%mul3A_5, %get3A_321], %gather3A masked %and3A_313 : memref<2x16384xf32, #tpu.memory_space<vmem>>[vector<16xi32>, vector<16xi32>], vector<16xf32>, vector<16xi1>
        tpu.vector_store_idx %arg18[%add3A_8, %get3A_321], %gather3A_330 masked %and3A_313 : memref<2x16384xf32, #tpu.memory_space<vmem>>[vector<16xi32>, vector<16xi32>], vector<16xf32>, vector<16xi1>
        %mul3A_331 = arith.constant 2 : i32
        %mul3A_332 = arith.muli %mul3A_331, %while3A_303 : i32
        %add3A_333 = arith.constant 1 : i32
        %add3A_334 = arith.addi %mul3A_332, %add3A_333 : i32
        %mul3A_335 = arith.constant 16 : i32
        %mul3A_336 = arith.muli %add3A_334, %mul3A_335 : i32
        %add3A_337 = vector.broadcast %mul3A_336 : i32 to vector<16xi32>
        %add3A_338 = arith.addi %add3A_337, %iota3A : vector<16xi32>
        %ge3A_339 = vector.broadcast %reduce_sum3A_117 : i32 to vector<16xi32>
        %ge3A_340 = arith.cmpi sge, %add3A_338, %ge3A_339 : vector<16xi32>
        %lt3A_341 = vector.broadcast %reduce_sum3A_202 : i32 to vector<16xi32>
        %lt3A_342 = arith.cmpi slt, %add3A_338, %lt3A_341 : vector<16xi32>
        %and3A_343 = arith.andi %ge3A_340, %lt3A_342 : vector<16xi1>
        %mul3A_344 = arith.constant 16 : i32
        %mul3A_345 = arith.muli %add3A_334, %mul3A_344 : i32
        %get3A_346 = arith.index_cast %mul3A_345 : i32 to index
        %get3A_347 = tpu.vector_load %arg10[%get3A_346] {strides = array<i32>} : memref<16384xi32, #tpu.memory_space<vmem>>, vector<16xi32>,
        %mul3A_348 = arith.constant 16 : i32
        %mul3A_349 = arith.muli %add3A_334, %mul3A_348 : i32
        %get3A_350 = arith.index_cast %mul3A_349 : i32 to index
        %get3A_351 = tpu.vector_load %arg11[%get3A_350] {strides = array<i32>} : memref<16384xi32, #tpu.memory_space<vmem>>, vector<16xi32>,
        %mul3A_352 = arith.constant 10752 : i32
        %mul3A_353 = arith.muli %add3A_134, %mul3A_352 : i32
        %sub3A_354 = vector.broadcast %mul3A_353 : i32 to vector<16xi32>
        %sub3A_355 = arith.subi %get3A_347, %sub3A_354 : vector<16xi32>
        %jit3A_356 = arith.constant 0 : i32
        %jit3A_357 = arith.constant 10751 : i32
        %max3A_358 = vector.broadcast %jit3A_356 : i32 to vector<16xi32>
        %max3A_359 = arith.maxsi %max3A_358, %sub3A_355 : vector<16xi32>
        %min3A_360 = vector.broadcast %jit3A_357 : i32 to vector<16xi32>
        %min3A_361 = arith.minsi %min3A_360, %max3A_359 : vector<16xi32>
        %gather3A_362 = tpu.vector_load_idx %arg16[%mul3A_5, %min3A_361] : memref<2x10752xf32, #tpu.memory_space<vmem>>[vector<16xi32>, vector<16xi32>], vector<16xf32>,
        %gather3A_363 = tpu.vector_load_idx %arg16[%add3A_8, %min3A_361] : memref<2x10752xf32, #tpu.memory_space<vmem>>[vector<16xi32>, vector<16xi32>], vector<16xf32>,
        tpu.vector_store_idx %arg18[%mul3A_5, %get3A_351], %gather3A_362 masked %and3A_343 : memref<2x16384xf32, #tpu.memory_space<vmem>>[vector<16xi32>, vector<16xi32>], vector<16xf32>, vector<16xi1>
        tpu.vector_store_idx %arg18[%add3A_8, %get3A_351], %gather3A_363 masked %and3A_343 : memref<2x16384xf32, #tpu.memory_space<vmem>>[vector<16xi32>, vector<16xi32>], vector<16xf32>, vector<16xi1>
      }
      %add3A_218 = arith.constant 2 : i32
      %add3A_219 = arith.addi %mul3A_54, %add3A_218 : i32
      %dma_wait3A_220 = arith.constant 0 : i32
      %dma_wait3A_221 = arith.constant 0 : i32
      %dma_wait3A_222 = tpu.memref_slice %arg8[%dma_wait3A_220, %dma_wait3A_221] : memref<64x1000000xf32, #tpu.memory_space<hbm>> -> memref<2x10752xf32, #tpu.memory_space<hbm>>
      %dma_wait3A_223 = arith.constant 0 : i32
      %dma_wait3A_224 = arith.constant 0 : i32
      %dma_wait3A_225 = tpu.memref_slice %arg8[%dma_wait3A_223, %dma_wait3A_224] : memref<64x1000000xf32, #tpu.memory_space<hbm>> -> memref<2x10752xf32, #tpu.memory_space<hbm>>
      tpu.wait_dma2 semaphore(%arg21 : memref<!tpu.dma_semaphore, #tpu.memory_space<semaphore_mem>>) src(%dma_wait3A_225 : memref<2x10752xf32, #tpu.memory_space<hbm>>) dst(%arg17 : memref<2x10752xf32, #tpu.memory_space<vmem>>)
      %add3A_226 = arith.constant 2 : i32
      %add3A_227 = arith.addi %add3A_219, %add3A_226 : i32
      %lt3A_228 = arith.constant 93 : i32
      %lt3A_229 = arith.cmpi slt, %add3A_227, %lt3A_228 : i32
      %convert_element_type3A_230 = arith.extui %lt3A_229 : i1 to i32
      %cond3A_231 = arith.constant 0 : i32
      %cond3A_232 = arith.cmpi ne, %convert_element_type3A_230, %cond3A_231 : i32
      scf.if %cond3A_232 {
        %add3A_303 = arith.constant 2 : i32
        %add3A_304 = arith.addi %add3A_219, %add3A_303 : i32
        %mul3A_305 = arith.constant 10752 : i32
        %mul3A_306 = arith.muli %add3A_304, %mul3A_305 : i32
        %dma_start3A_307 = tpu.memref_slice %arg8[%mul3A_2, %mul3A_306] : memref<64x1000000xf32, #tpu.memory_space<hbm>> -> memref<2x10752xf32, #tpu.memory_space<hbm>>
        %dma_start3A_308 = tpu.memref_slice %arg8[%mul3A_2, %mul3A_306] : memref<64x1000000xf32, #tpu.memory_space<hbm>> -> memref<2x10752xf32, #tpu.memory_space<hbm>>
        tpu.enqueue_dma source(%dma_start3A_308 : memref<2x10752xf32, #tpu.memory_space<hbm>>) target(%arg16 : memref<2x10752xf32, #tpu.memory_space<vmem>>) target_semaphore(%arg20 : memref<!tpu.dma_semaphore, #tpu.memory_space<semaphore_mem>>)
      } else {
      }
      %add3A_233 = arith.constant 1 : i32
      %add3A_234 = arith.addi %add3A_219, %add3A_233 : i32
      %jit3A_235 = arith.constant 16 : i32
      %div3A_236 = arith.divsi %add3A_234, %jit3A_235 : i32
      %sign3A_237 = arith.constant 0 : i32
      %sign3A_238 = arith.cmpi sgt, %add3A_234, %sign3A_237 : i32
      %sign3A_239 = arith.extui %sign3A_238 : i1 to i32
      %sign3A_240 = arith.constant 0 : i32
      %sign3A_241 = arith.cmpi slt, %add3A_234, %sign3A_240 : i32
      %sign3A_242 = arith.extui %sign3A_241 : i1 to i32
      %sign3A_243 = arith.subi %sign3A_239, %sign3A_242 : i32
      %sign3A_244 = arith.constant 0 : i32
      %sign3A_245 = arith.cmpi sgt, %jit3A_235, %sign3A_244 : i32
      %sign3A_246 = arith.extui %sign3A_245 : i1 to i32
      %sign3A_247 = arith.constant 0 : i32
      %sign3A_248 = arith.cmpi slt, %jit3A_235, %sign3A_247 : i32
      %sign3A_249 = arith.extui %sign3A_248 : i1 to i32
      %sign3A_250 = arith.subi %sign3A_246, %sign3A_249 : i32
      %ne3A_251 = arith.cmpi ne, %sign3A_243, %sign3A_250 : i32
      %rem3A_252 = arith.remsi %add3A_234, %jit3A_235 : i32
      %ne3A_253 = arith.constant 0 : i32
      %ne3A_254 = arith.cmpi ne, %rem3A_252, %ne3A_253 : i32
      %and3A_255 = arith.andi %ne3A_251, %ne3A_254 : i1
      %sub3A_256 = arith.constant 1 : i32
      %sub3A_257 = arith.subi %div3A_236, %sub3A_256 : i32
      %select_n3A_258 = arith.select %and3A_255, %sub3A_257, %div3A_236 : i32
      %mul3A_259 = arith.constant 16 : i32
      %mul3A_260 = arith.muli %mul3A_259, %select_n3A_258 : i32
      %get3A_261 = arith.index_cast %mul3A_260 : i32 to index
      %get3A_262 = tpu.vector_load %arg12[%get3A_261] {strides = array<i32>} : memref<96xi32, #tpu.memory_space<vmem>>, vector<16xi32>,
      %jit3A_263 = arith.constant 16 : i32
      %eq3A_264 = arith.constant 0 : i32
      %eq3A_265 = arith.cmpi eq, %jit3A_263, %eq3A_264 : i32
      %jit3A_266 = arith.constant 1 : i32
      %select_n3A_267 = arith.select %eq3A_265, %jit3A_266, %jit3A_263 : i32
      %rem3A_268 = arith.remsi %add3A_234, %select_n3A_267 : i32
      %ne3A_269 = arith.constant 0 : i32
      %ne3A_270 = arith.cmpi ne, %rem3A_268, %ne3A_269 : i32
      %lt3A_271 = arith.constant 0 : i32
      %lt3A_272 = arith.cmpi slt, %rem3A_268, %lt3A_271 : i32
      %lt3A_273 = arith.constant 0 : i32
      %lt3A_274 = arith.cmpi slt, %select_n3A_267, %lt3A_273 : i32
      %ne3A_275 = arith.xori %lt3A_272, %lt3A_274 : i1
      %and3A_276 = arith.andi %ne3A_275, %ne3A_270 : i1
      %add3A_277 = arith.addi %rem3A_268, %select_n3A_267 : i32
      %select_n3A_278 = arith.select %and3A_276, %add3A_277, %rem3A_268 : i32
      %eq3A_279 = vector.broadcast %select_n3A_278 : i32 to vector<16xi32>
      %eq3A_280 = arith.cmpi eq, %iota3A, %eq3A_279 : vector<16xi32>
      %jit3A_281 = arith.constant 0 : i32
      %broadcast_in_dim3A_282 = vector.broadcast %jit3A_281 : i32 to vector<16xi32>
      %select_n3A_283 = arith.select %eq3A_280, %get3A_262, %broadcast_in_dim3A_282 : vector<16xi1>, vector<16xi32>
      %reduce_sum3A_284 = arith.constant true
      %reduce_sum3A_285 = vector.broadcast %reduce_sum3A_284 : i1 to vector<16xi1>
      %reduce_sum3A_286 = tpu.scan <sum>, %select_n3A_283 masked %reduce_sum3A_285 : vector<16xi32>, vector<16xi1> -> vector<16xi32>
      %reduce_sum3A_287 = vector.extract %reduce_sum3A_286[15] : i32 from vector<16xi32>
      %shift_right_arithmetic3A_288 = arith.constant 5 : i32
      %shift_right_arithmetic3A_289 = arith.shrsi %reduce_sum3A_202, %shift_right_arithmetic3A_288 : i32
      %add3A_290 = arith.constant 31 : i32
      %add3A_291 = arith.addi %reduce_sum3A_287, %add3A_290 : i32
      %shift_right_arithmetic3A_292 = arith.constant 5 : i32
      %shift_right_arithmetic3A_293 = arith.shrsi %add3A_291, %shift_right_arithmetic3A_292 : i32
      %while3A_294 = arith.constant 0 : i32
      %while3A_295 = arith.subi %shift_right_arithmetic3A_293, %shift_right_arithmetic3A_289 : i32
      %while3A_296 = arith.addi %shift_right_arithmetic3A_289, %while3A_295 : i32
      %while3A_297 = arith.constant 1 : i32
      %while3A_298 = arith.divsi %while3A_295, %while3A_297 : i32
      %while3A_299 = arith.muli %while3A_298, %while3A_297 : i32
      %while3A_300 = arith.addi %shift_right_arithmetic3A_289, %while3A_299 : i32
      %while3A_301 = arith.constant 1 : i32
      scf.for %while3A_303 = %shift_right_arithmetic3A_289 to %while3A_300 step %while3A_301  : i32 {
        %mul3A_304 = arith.constant 2 : i32
        %mul3A_305 = arith.muli %mul3A_304, %while3A_303 : i32
        %mul3A_306 = arith.constant 16 : i32
        %mul3A_307 = arith.muli %mul3A_305, %mul3A_306 : i32
        %add3A_308 = vector.broadcast %mul3A_307 : i32 to vector<16xi32>
        %add3A_309 = arith.addi %add3A_308, %iota3A : vector<16xi32>
        %ge3A = vector.broadcast %reduce_sum3A_202 : i32 to vector<16xi32>
        %ge3A_310 = arith.cmpi sge, %add3A_309, %ge3A : vector<16xi32>
        %lt3A_311 = vector.broadcast %reduce_sum3A_287 : i32 to vector<16xi32>
        %lt3A_312 = arith.cmpi slt, %add3A_309, %lt3A_311 : vector<16xi32>
        %and3A_313 = arith.andi %ge3A_310, %lt3A_312 : vector<16xi1>
        %mul3A_314 = arith.constant 16 : i32
        %mul3A_315 = arith.muli %mul3A_305, %mul3A_314 : i32
        %get3A_316 = arith.index_cast %mul3A_315 : i32 to index
        %get3A_317 = tpu.vector_load %arg10[%get3A_316] {strides = array<i32>} : memref<16384xi32, #tpu.memory_space<vmem>>, vector<16xi32>,
        %mul3A_318 = arith.constant 16 : i32
        %mul3A_319 = arith.muli %mul3A_305, %mul3A_318 : i32
        %get3A_320 = arith.index_cast %mul3A_319 : i32 to index
        %get3A_321 = tpu.vector_load %arg11[%get3A_320] {strides = array<i32>} : memref<16384xi32, #tpu.memory_space<vmem>>, vector<16xi32>,
        %mul3A_322 = arith.constant 10752 : i32
        %mul3A_323 = arith.muli %add3A_219, %mul3A_322 : i32
        %sub3A_324 = vector.broadcast %mul3A_323 : i32 to vector<16xi32>
        %sub3A_325 = arith.subi %get3A_317, %sub3A_324 : vector<16xi32>
        %jit3A_326 = arith.constant 0 : i32
        %jit3A_327 = arith.constant 10751 : i32
        %max3A = vector.broadcast %jit3A_326 : i32 to vector<16xi32>
        %max3A_328 = arith.maxsi %max3A, %sub3A_325 : vector<16xi32>
        %min3A = vector.broadcast %jit3A_327 : i32 to vector<16xi32>
        %min3A_329 = arith.minsi %min3A, %max3A_328 : vector<16xi32>
        %gather3A = tpu.vector_load_idx %arg17[%mul3A_5, %min3A_329] : memref<2x10752xf32, #tpu.memory_space<vmem>>[vector<16xi32>, vector<16xi32>], vector<16xf32>,
        %gather3A_330 = tpu.vector_load_idx %arg17[%add3A_8, %min3A_329] : memref<2x10752xf32, #tpu.memory_space<vmem>>[vector<16xi32>, vector<16xi32>], vector<16xf32>,
        tpu.vector_store_idx %arg18[%mul3A_5, %get3A_321], %gather3A masked %and3A_313 : memref<2x16384xf32, #tpu.memory_space<vmem>>[vector<16xi32>, vector<16xi32>], vector<16xf32>, vector<16xi1>
        tpu.vector_store_idx %arg18[%add3A_8, %get3A_321], %gather3A_330 masked %and3A_313 : memref<2x16384xf32, #tpu.memory_space<vmem>>[vector<16xi32>, vector<16xi32>], vector<16xf32>, vector<16xi1>
        %mul3A_331 = arith.constant 2 : i32
        %mul3A_332 = arith.muli %mul3A_331, %while3A_303 : i32
        %add3A_333 = arith.constant 1 : i32
        %add3A_334 = arith.addi %mul3A_332, %add3A_333 : i32
        %mul3A_335 = arith.constant 16 : i32
        %mul3A_336 = arith.muli %add3A_334, %mul3A_335 : i32
        %add3A_337 = vector.broadcast %mul3A_336 : i32 to vector<16xi32>
        %add3A_338 = arith.addi %add3A_337, %iota3A : vector<16xi32>
        %ge3A_339 = vector.broadcast %reduce_sum3A_202 : i32 to vector<16xi32>
        %ge3A_340 = arith.cmpi sge, %add3A_338, %ge3A_339 : vector<16xi32>
        %lt3A_341 = vector.broadcast %reduce_sum3A_287 : i32 to vector<16xi32>
        %lt3A_342 = arith.cmpi slt, %add3A_338, %lt3A_341 : vector<16xi32>
        %and3A_343 = arith.andi %ge3A_340, %lt3A_342 : vector<16xi1>
        %mul3A_344 = arith.constant 16 : i32
        %mul3A_345 = arith.muli %add3A_334, %mul3A_344 : i32
        %get3A_346 = arith.index_cast %mul3A_345 : i32 to index
        %get3A_347 = tpu.vector_load %arg10[%get3A_346] {strides = array<i32>} : memref<16384xi32, #tpu.memory_space<vmem>>, vector<16xi32>,
        %mul3A_348 = arith.constant 16 : i32
        %mul3A_349 = arith.muli %add3A_334, %mul3A_348 : i32
        %get3A_350 = arith.index_cast %mul3A_349 : i32 to index
        %get3A_351 = tpu.vector_load %arg11[%get3A_350] {strides = array<i32>} : memref<16384xi32, #tpu.memory_space<vmem>>, vector<16xi32>,
        %mul3A_352 = arith.constant 10752 : i32
        %mul3A_353 = arith.muli %add3A_219, %mul3A_352 : i32
        %sub3A_354 = vector.broadcast %mul3A_353 : i32 to vector<16xi32>
        %sub3A_355 = arith.subi %get3A_347, %sub3A_354 : vector<16xi32>
        %jit3A_356 = arith.constant 0 : i32
        %jit3A_357 = arith.constant 10751 : i32
        %max3A_358 = vector.broadcast %jit3A_356 : i32 to vector<16xi32>
        %max3A_359 = arith.maxsi %max3A_358, %sub3A_355 : vector<16xi32>
        %min3A_360 = vector.broadcast %jit3A_357 : i32 to vector<16xi32>
        %min3A_361 = arith.minsi %min3A_360, %max3A_359 : vector<16xi32>
        %gather3A_362 = tpu.vector_load_idx %arg17[%mul3A_5, %min3A_361] : memref<2x10752xf32, #tpu.memory_space<vmem>>[vector<16xi32>, vector<16xi32>], vector<16xf32>,
        %gather3A_363 = tpu.vector_load_idx %arg17[%add3A_8, %min3A_361] : memref<2x10752xf32, #tpu.memory_space<vmem>>[vector<16xi32>, vector<16xi32>], vector<16xf32>,
        tpu.vector_store_idx %arg18[%mul3A_5, %get3A_351], %gather3A_362 masked %and3A_343 : memref<2x16384xf32, #tpu.memory_space<vmem>>[vector<16xi32>, vector<16xi32>], vector<16xf32>, vector<16xi1>
        tpu.vector_store_idx %arg18[%add3A_8, %get3A_351], %gather3A_363 masked %and3A_343 : memref<2x16384xf32, #tpu.memory_space<vmem>>[vector<16xi32>, vector<16xi32>], vector<16xf32>, vector<16xi1>
      }
      %while3A_302 = arith.constant 1 : i32
      scf.for %while3A_303 = %while3A_300 to %while3A_296 step %while3A_302  : i32 {
        %mul3A_304 = arith.constant 2 : i32
        %mul3A_305 = arith.muli %mul3A_304, %while3A_303 : i32
        %mul3A_306 = arith.constant 16 : i32
        %mul3A_307 = arith.muli %mul3A_305, %mul3A_306 : i32
        %add3A_308 = vector.broadcast %mul3A_307 : i32 to vector<16xi32>
        %add3A_309 = arith.addi %add3A_308, %iota3A : vector<16xi32>
        %ge3A = vector.broadcast %reduce_sum3A_202 : i32 to vector<16xi32>
        %ge3A_310 = arith.cmpi sge, %add3A_309, %ge3A : vector<16xi32>
        %lt3A_311 = vector.broadcast %reduce_sum3A_287 : i32 to vector<16xi32>
        %lt3A_312 = arith.cmpi slt, %add3A_309, %lt3A_311 : vector<16xi32>
        %and3A_313 = arith.andi %ge3A_310, %lt3A_312 : vector<16xi1>
        %mul3A_314 = arith.constant 16 : i32
        %mul3A_315 = arith.muli %mul3A_305, %mul3A_314 : i32
        %get3A_316 = arith.index_cast %mul3A_315 : i32 to index
        %get3A_317 = tpu.vector_load %arg10[%get3A_316] {strides = array<i32>} : memref<16384xi32, #tpu.memory_space<vmem>>, vector<16xi32>,
        %mul3A_318 = arith.constant 16 : i32
        %mul3A_319 = arith.muli %mul3A_305, %mul3A_318 : i32
        %get3A_320 = arith.index_cast %mul3A_319 : i32 to index
        %get3A_321 = tpu.vector_load %arg11[%get3A_320] {strides = array<i32>} : memref<16384xi32, #tpu.memory_space<vmem>>, vector<16xi32>,
        %mul3A_322 = arith.constant 10752 : i32
        %mul3A_323 = arith.muli %add3A_219, %mul3A_322 : i32
        %sub3A_324 = vector.broadcast %mul3A_323 : i32 to vector<16xi32>
        %sub3A_325 = arith.subi %get3A_317, %sub3A_324 : vector<16xi32>
        %jit3A_326 = arith.constant 0 : i32
        %jit3A_327 = arith.constant 10751 : i32
        %max3A = vector.broadcast %jit3A_326 : i32 to vector<16xi32>
        %max3A_328 = arith.maxsi %max3A, %sub3A_325 : vector<16xi32>
        %min3A = vector.broadcast %jit3A_327 : i32 to vector<16xi32>
        %min3A_329 = arith.minsi %min3A, %max3A_328 : vector<16xi32>
        %gather3A = tpu.vector_load_idx %arg17[%mul3A_5, %min3A_329] : memref<2x10752xf32, #tpu.memory_space<vmem>>[vector<16xi32>, vector<16xi32>], vector<16xf32>,
        %gather3A_330 = tpu.vector_load_idx %arg17[%add3A_8, %min3A_329] : memref<2x10752xf32, #tpu.memory_space<vmem>>[vector<16xi32>, vector<16xi32>], vector<16xf32>,
        tpu.vector_store_idx %arg18[%mul3A_5, %get3A_321], %gather3A masked %and3A_313 : memref<2x16384xf32, #tpu.memory_space<vmem>>[vector<16xi32>, vector<16xi32>], vector<16xf32>, vector<16xi1>
        tpu.vector_store_idx %arg18[%add3A_8, %get3A_321], %gather3A_330 masked %and3A_313 : memref<2x16384xf32, #tpu.memory_space<vmem>>[vector<16xi32>, vector<16xi32>], vector<16xf32>, vector<16xi1>
        %mul3A_331 = arith.constant 2 : i32
        %mul3A_332 = arith.muli %mul3A_331, %while3A_303 : i32
        %add3A_333 = arith.constant 1 : i32
        %add3A_334 = arith.addi %mul3A_332, %add3A_333 : i32
        %mul3A_335 = arith.constant 16 : i32
        %mul3A_336 = arith.muli %add3A_334, %mul3A_335 : i32
        %add3A_337 = vector.broadcast %mul3A_336 : i32 to vector<16xi32>
        %add3A_338 = arith.addi %add3A_337, %iota3A : vector<16xi32>
        %ge3A_339 = vector.broadcast %reduce_sum3A_202 : i32 to vector<16xi32>
        %ge3A_340 = arith.cmpi sge, %add3A_338, %ge3A_339 : vector<16xi32>
        %lt3A_341 = vector.broadcast %reduce_sum3A_287 : i32 to vector<16xi32>
        %lt3A_342 = arith.cmpi slt, %add3A_338, %lt3A_341 : vector<16xi32>
        %and3A_343 = arith.andi %ge3A_340, %lt3A_342 : vector<16xi1>
        %mul3A_344 = arith.constant 16 : i32
        %mul3A_345 = arith.muli %add3A_334, %mul3A_344 : i32
        %get3A_346 = arith.index_cast %mul3A_345 : i32 to index
        %get3A_347 = tpu.vector_load %arg10[%get3A_346] {strides = array<i32>} : memref<16384xi32, #tpu.memory_space<vmem>>, vector<16xi32>,
        %mul3A_348 = arith.constant 16 : i32
        %mul3A_349 = arith.muli %add3A_334, %mul3A_348 : i32
        %get3A_350 = arith.index_cast %mul3A_349 : i32 to index
        %get3A_351 = tpu.vector_load %arg11[%get3A_350] {strides = array<i32>} : memref<16384xi32, #tpu.memory_space<vmem>>, vector<16xi32>,
        %mul3A_352 = arith.constant 10752 : i32
        %mul3A_353 = arith.muli %add3A_219, %mul3A_352 : i32
        %sub3A_354 = vector.broadcast %mul3A_353 : i32 to vector<16xi32>
        %sub3A_355 = arith.subi %get3A_347, %sub3A_354 : vector<16xi32>
        %jit3A_356 = arith.constant 0 : i32
        %jit3A_357 = arith.constant 10751 : i32
        %max3A_358 = vector.broadcast %jit3A_356 : i32 to vector<16xi32>
        %max3A_359 = arith.maxsi %max3A_358, %sub3A_355 : vector<16xi32>
        %min3A_360 = vector.broadcast %jit3A_357 : i32 to vector<16xi32>
        %min3A_361 = arith.minsi %min3A_360, %max3A_359 : vector<16xi32>
        %gather3A_362 = tpu.vector_load_idx %arg17[%mul3A_5, %min3A_361] : memref<2x10752xf32, #tpu.memory_space<vmem>>[vector<16xi32>, vector<16xi32>], vector<16xf32>,
        %gather3A_363 = tpu.vector_load_idx %arg17[%add3A_8, %min3A_361] : memref<2x10752xf32, #tpu.memory_space<vmem>>[vector<16xi32>, vector<16xi32>], vector<16xf32>,
        tpu.vector_store_idx %arg18[%mul3A_5, %get3A_351], %gather3A_362 masked %and3A_343 : memref<2x16384xf32, #tpu.memory_space<vmem>>[vector<16xi32>, vector<16xi32>], vector<16xf32>, vector<16xi1>
        tpu.vector_store_idx %arg18[%add3A_8, %get3A_351], %gather3A_363 masked %and3A_343 : memref<2x16384xf32, #tpu.memory_space<vmem>>[vector<16xi32>, vector<16xi32>], vector<16xf32>, vector<16xi1>
      }
      scf.yield %reduce_sum3A_287 : i32
    }
    %scan3A_21 = arith.constant 31 : i32
    %get3A = arith.constant 80 : index
    %get3A_22 = tpu.vector_load %arg12[%get3A] {strides = array<i32>} : memref<96xi32, #tpu.memory_space<vmem>>, vector<16xi32>,
    %eq3A = arith.constant 14 : i32
    %eq3A_23 = vector.broadcast %eq3A : i32 to vector<16xi32>
    %eq3A_24 = arith.cmpi eq, %iota3A, %eq3A_23 : vector<16xi32>
    %jit3A = arith.constant 0 : i32
    %broadcast_in_dim3A = vector.broadcast %jit3A : i32 to vector<16xi32>
    %select_n3A = arith.select %eq3A_24, %get3A_22, %broadcast_in_dim3A : vector<16xi1>, vector<16xi32>
    %reduce_sum3A = arith.constant true
    %reduce_sum3A_25 = vector.broadcast %reduce_sum3A : i1 to vector<16xi1>
    %reduce_sum3A_26 = tpu.scan <sum>, %select_n3A masked %reduce_sum3A_25 : vector<16xi32>, vector<16xi1> -> vector<16xi32>
    %reduce_sum3A_27 = vector.extract %reduce_sum3A_26[15] : i32 from vector<16xi32>
    %shift_right_arithmetic3A = arith.constant 5 : i32
    %shift_right_arithmetic3A_28 = arith.shrsi %scan3A_20, %shift_right_arithmetic3A : i32
    %add3A_29 = arith.constant 31 : i32
    %add3A_30 = arith.addi %reduce_sum3A_27, %add3A_29 : i32
    %shift_right_arithmetic3A_31 = arith.constant 5 : i32
    %shift_right_arithmetic3A_32 = arith.shrsi %add3A_30, %shift_right_arithmetic3A_31 : i32
    %while3A = arith.constant 0 : i32
    %while3A_33 = arith.subi %shift_right_arithmetic3A_32, %shift_right_arithmetic3A_28 : i32
    %while3A_34 = arith.addi %shift_right_arithmetic3A_28, %while3A_33 : i32
    %while3A_35 = arith.constant 1 : i32
    %while3A_36 = arith.divsi %while3A_33, %while3A_35 : i32
    %while3A_37 = arith.muli %while3A_36, %while3A_35 : i32
    %while3A_38 = arith.addi %shift_right_arithmetic3A_28, %while3A_37 : i32
    %while3A_39 = arith.constant 1 : i32
    scf.for %while3A_51 = %shift_right_arithmetic3A_28 to %while3A_38 step %while3A_39  : i32 {
      %mul3A_52 = arith.constant 2 : i32
      %mul3A_53 = arith.muli %mul3A_52, %while3A_51 : i32
      %mul3A_54 = arith.constant 16 : i32
      %mul3A_55 = arith.muli %mul3A_53, %mul3A_54 : i32
      %add3A_56 = vector.broadcast %mul3A_55 : i32 to vector<16xi32>
      %add3A_57 = arith.addi %add3A_56, %iota3A : vector<16xi32>
      %ge3A = vector.broadcast %scan3A_20 : i32 to vector<16xi32>
      %ge3A_58 = arith.cmpi sge, %add3A_57, %ge3A : vector<16xi32>
      %lt3A_59 = vector.broadcast %reduce_sum3A_27 : i32 to vector<16xi32>
      %lt3A_60 = arith.cmpi slt, %add3A_57, %lt3A_59 : vector<16xi32>
      %and3A = arith.andi %ge3A_58, %lt3A_60 : vector<16xi1>
      %mul3A_61 = arith.constant 16 : i32
      %mul3A_62 = arith.muli %mul3A_53, %mul3A_61 : i32
      %get3A_63 = arith.index_cast %mul3A_62 : i32 to index
      %get3A_64 = tpu.vector_load %arg10[%get3A_63] {strides = array<i32>} : memref<16384xi32, #tpu.memory_space<vmem>>, vector<16xi32>,
      %mul3A_65 = arith.constant 16 : i32
      %mul3A_66 = arith.muli %mul3A_53, %mul3A_65 : i32
      %get3A_67 = arith.index_cast %mul3A_66 : i32 to index
      %get3A_68 = tpu.vector_load %arg11[%get3A_67] {strides = array<i32>} : memref<16384xi32, #tpu.memory_space<vmem>>, vector<16xi32>,
      %sub3A = arith.constant 999936 : i32
      %sub3A_69 = vector.broadcast %sub3A : i32 to vector<16xi32>
      %sub3A_70 = arith.subi %get3A_64, %sub3A_69 : vector<16xi32>
      %jit3A_71 = arith.constant 0 : i32
      %jit3A_72 = arith.constant 63 : i32
      %max3A = vector.broadcast %jit3A_71 : i32 to vector<16xi32>
      %max3A_73 = arith.maxsi %max3A, %sub3A_70 : vector<16xi32>
      %min3A = vector.broadcast %jit3A_72 : i32 to vector<16xi32>
      %min3A_74 = arith.minsi %min3A, %max3A_73 : vector<16xi32>
      %gather3A = tpu.vector_load_idx %arg14[%mul3A_5, %min3A_74] : memref<2x64xf32, #tpu.memory_space<vmem>>[vector<16xi32>, vector<16xi32>], vector<16xf32>,
      %gather3A_75 = tpu.vector_load_idx %arg14[%add3A_8, %min3A_74] : memref<2x64xf32, #tpu.memory_space<vmem>>[vector<16xi32>, vector<16xi32>], vector<16xf32>,
      tpu.vector_store_idx %arg18[%mul3A_5, %get3A_68], %gather3A masked %and3A : memref<2x16384xf32, #tpu.memory_space<vmem>>[vector<16xi32>, vector<16xi32>], vector<16xf32>, vector<16xi1>
      tpu.vector_store_idx %arg18[%add3A_8, %get3A_68], %gather3A_75 masked %and3A : memref<2x16384xf32, #tpu.memory_space<vmem>>[vector<16xi32>, vector<16xi32>], vector<16xf32>, vector<16xi1>
      %mul3A_76 = arith.constant 2 : i32
      %mul3A_77 = arith.muli %mul3A_76, %while3A_51 : i32
      %add3A_78 = arith.constant 1 : i32
      %add3A_79 = arith.addi %mul3A_77, %add3A_78 : i32
      %mul3A_80 = arith.constant 16 : i32
      %mul3A_81 = arith.muli %add3A_79, %mul3A_80 : i32
      %add3A_82 = vector.broadcast %mul3A_81 : i32 to vector<16xi32>
      %add3A_83 = arith.addi %add3A_82, %iota3A : vector<16xi32>
      %ge3A_84 = vector.broadcast %scan3A_20 : i32 to vector<16xi32>
      %ge3A_85 = arith.cmpi sge, %add3A_83, %ge3A_84 : vector<16xi32>
      %lt3A_86 = vector.broadcast %reduce_sum3A_27 : i32 to vector<16xi32>
      %lt3A_87 = arith.cmpi slt, %add3A_83, %lt3A_86 : vector<16xi32>
      %and3A_88 = arith.andi %ge3A_85, %lt3A_87 : vector<16xi1>
      %mul3A_89 = arith.constant 16 : i32
      %mul3A_90 = arith.muli %add3A_79, %mul3A_89 : i32
      %get3A_91 = arith.index_cast %mul3A_90 : i32 to index
      %get3A_92 = tpu.vector_load %arg10[%get3A_91] {strides = array<i32>} : memref<16384xi32, #tpu.memory_space<vmem>>, vector<16xi32>,
      %mul3A_93 = arith.constant 16 : i32
      %mul3A_94 = arith.muli %add3A_79, %mul3A_93 : i32
      %get3A_95 = arith.index_cast %mul3A_94 : i32 to index
      %get3A_96 = tpu.vector_load %arg11[%get3A_95] {strides = array<i32>} : memref<16384xi32, #tpu.memory_space<vmem>>, vector<16xi32>,
      %sub3A_97 = arith.constant 999936 : i32
      %sub3A_98 = vector.broadcast %sub3A_97 : i32 to vector<16xi32>
      %sub3A_99 = arith.subi %get3A_92, %sub3A_98 : vector<16xi32>
      %jit3A_100 = arith.constant 0 : i32
      %jit3A_101 = arith.constant 63 : i32
      %max3A_102 = vector.broadcast %jit3A_100 : i32 to vector<16xi32>
      %max3A_103 = arith.maxsi %max3A_102, %sub3A_99 : vector<16xi32>
      %min3A_104 = vector.broadcast %jit3A_101 : i32 to vector<16xi32>
      %min3A_105 = arith.minsi %min3A_104, %max3A_103 : vector<16xi32>
      %gather3A_106 = tpu.vector_load_idx %arg14[%mul3A_5, %min3A_105] : memref<2x64xf32, #tpu.memory_space<vmem>>[vector<16xi32>, vector<16xi32>], vector<16xf32>,
      %gather3A_107 = tpu.vector_load_idx %arg14[%add3A_8, %min3A_105] : memref<2x64xf32, #tpu.memory_space<vmem>>[vector<16xi32>, vector<16xi32>], vector<16xf32>,
      tpu.vector_store_idx %arg18[%mul3A_5, %get3A_96], %gather3A_106 masked %and3A_88 : memref<2x16384xf32, #tpu.memory_space<vmem>>[vector<16xi32>, vector<16xi32>], vector<16xf32>, vector<16xi1>
      tpu.vector_store_idx %arg18[%add3A_8, %get3A_96], %gather3A_107 masked %and3A_88 : memref<2x16384xf32, #tpu.memory_space<vmem>>[vector<16xi32>, vector<16xi32>], vector<16xf32>, vector<16xi1>
    }
    %while3A_40 = arith.constant 1 : i32
    scf.for %while3A_51 = %while3A_38 to %while3A_34 step %while3A_40  : i32 {
      %mul3A_52 = arith.constant 2 : i32
      %mul3A_53 = arith.muli %mul3A_52, %while3A_51 : i32
      %mul3A_54 = arith.constant 16 : i32
      %mul3A_55 = arith.muli %mul3A_53, %mul3A_54 : i32
      %add3A_56 = vector.broadcast %mul3A_55 : i32 to vector<16xi32>
      %add3A_57 = arith.addi %add3A_56, %iota3A : vector<16xi32>
      %ge3A = vector.broadcast %scan3A_20 : i32 to vector<16xi32>
      %ge3A_58 = arith.cmpi sge, %add3A_57, %ge3A : vector<16xi32>
      %lt3A_59 = vector.broadcast %reduce_sum3A_27 : i32 to vector<16xi32>
      %lt3A_60 = arith.cmpi slt, %add3A_57, %lt3A_59 : vector<16xi32>
      %and3A = arith.andi %ge3A_58, %lt3A_60 : vector<16xi1>
      %mul3A_61 = arith.constant 16 : i32
      %mul3A_62 = arith.muli %mul3A_53, %mul3A_61 : i32
      %get3A_63 = arith.index_cast %mul3A_62 : i32 to index
      %get3A_64 = tpu.vector_load %arg10[%get3A_63] {strides = array<i32>} : memref<16384xi32, #tpu.memory_space<vmem>>, vector<16xi32>,
      %mul3A_65 = arith.constant 16 : i32
      %mul3A_66 = arith.muli %mul3A_53, %mul3A_65 : i32
      %get3A_67 = arith.index_cast %mul3A_66 : i32 to index
      %get3A_68 = tpu.vector_load %arg11[%get3A_67] {strides = array<i32>} : memref<16384xi32, #tpu.memory_space<vmem>>, vector<16xi32>,
      %sub3A = arith.constant 999936 : i32
      %sub3A_69 = vector.broadcast %sub3A : i32 to vector<16xi32>
      %sub3A_70 = arith.subi %get3A_64, %sub3A_69 : vector<16xi32>
      %jit3A_71 = arith.constant 0 : i32
      %jit3A_72 = arith.constant 63 : i32
      %max3A = vector.broadcast %jit3A_71 : i32 to vector<16xi32>
      %max3A_73 = arith.maxsi %max3A, %sub3A_70 : vector<16xi32>
      %min3A = vector.broadcast %jit3A_72 : i32 to vector<16xi32>
      %min3A_74 = arith.minsi %min3A, %max3A_73 : vector<16xi32>
      %gather3A = tpu.vector_load_idx %arg14[%mul3A_5, %min3A_74] : memref<2x64xf32, #tpu.memory_space<vmem>>[vector<16xi32>, vector<16xi32>], vector<16xf32>,
      %gather3A_75 = tpu.vector_load_idx %arg14[%add3A_8, %min3A_74] : memref<2x64xf32, #tpu.memory_space<vmem>>[vector<16xi32>, vector<16xi32>], vector<16xf32>,
      tpu.vector_store_idx %arg18[%mul3A_5, %get3A_68], %gather3A masked %and3A : memref<2x16384xf32, #tpu.memory_space<vmem>>[vector<16xi32>, vector<16xi32>], vector<16xf32>, vector<16xi1>
      tpu.vector_store_idx %arg18[%add3A_8, %get3A_68], %gather3A_75 masked %and3A : memref<2x16384xf32, #tpu.memory_space<vmem>>[vector<16xi32>, vector<16xi32>], vector<16xf32>, vector<16xi1>
      %mul3A_76 = arith.constant 2 : i32
      %mul3A_77 = arith.muli %mul3A_76, %while3A_51 : i32
      %add3A_78 = arith.constant 1 : i32
      %add3A_79 = arith.addi %mul3A_77, %add3A_78 : i32
      %mul3A_80 = arith.constant 16 : i32
      %mul3A_81 = arith.muli %add3A_79, %mul3A_80 : i32
      %add3A_82 = vector.broadcast %mul3A_81 : i32 to vector<16xi32>
      %add3A_83 = arith.addi %add3A_82, %iota3A : vector<16xi32>
      %ge3A_84 = vector.broadcast %scan3A_20 : i32 to vector<16xi32>
      %ge3A_85 = arith.cmpi sge, %add3A_83, %ge3A_84 : vector<16xi32>
      %lt3A_86 = vector.broadcast %reduce_sum3A_27 : i32 to vector<16xi32>
      %lt3A_87 = arith.cmpi slt, %add3A_83, %lt3A_86 : vector<16xi32>
      %and3A_88 = arith.andi %ge3A_85, %lt3A_87 : vector<16xi1>
      %mul3A_89 = arith.constant 16 : i32
      %mul3A_90 = arith.muli %add3A_79, %mul3A_89 : i32
      %get3A_91 = arith.index_cast %mul3A_90 : i32 to index
      %get3A_92 = tpu.vector_load %arg10[%get3A_91] {strides = array<i32>} : memref<16384xi32, #tpu.memory_space<vmem>>, vector<16xi32>,
      %mul3A_93 = arith.constant 16 : i32
      %mul3A_94 = arith.muli %add3A_79, %mul3A_93 : i32
      %get3A_95 = arith.index_cast %mul3A_94 : i32 to index
      %get3A_96 = tpu.vector_load %arg11[%get3A_95] {strides = array<i32>} : memref<16384xi32, #tpu.memory_space<vmem>>, vector<16xi32>,
      %sub3A_97 = arith.constant 999936 : i32
      %sub3A_98 = vector.broadcast %sub3A_97 : i32 to vector<16xi32>
      %sub3A_99 = arith.subi %get3A_92, %sub3A_98 : vector<16xi32>
      %jit3A_100 = arith.constant 0 : i32
      %jit3A_101 = arith.constant 63 : i32
      %max3A_102 = vector.broadcast %jit3A_100 : i32 to vector<16xi32>
      %max3A_103 = arith.maxsi %max3A_102, %sub3A_99 : vector<16xi32>
      %min3A_104 = vector.broadcast %jit3A_101 : i32 to vector<16xi32>
      %min3A_105 = arith.minsi %min3A_104, %max3A_103 : vector<16xi32>
      %gather3A_106 = tpu.vector_load_idx %arg14[%mul3A_5, %min3A_105] : memref<2x64xf32, #tpu.memory_space<vmem>>[vector<16xi32>, vector<16xi32>], vector<16xf32>,
      %gather3A_107 = tpu.vector_load_idx %arg14[%add3A_8, %min3A_105] : memref<2x64xf32, #tpu.memory_space<vmem>>[vector<16xi32>, vector<16xi32>], vector<16xf32>,
      tpu.vector_store_idx %arg18[%mul3A_5, %get3A_96], %gather3A_106 masked %and3A_88 : memref<2x16384xf32, #tpu.memory_space<vmem>>[vector<16xi32>, vector<16xi32>], vector<16xf32>, vector<16xi1>
      tpu.vector_store_idx %arg18[%add3A_8, %get3A_96], %gather3A_107 masked %and3A_88 : memref<2x16384xf32, #tpu.memory_space<vmem>>[vector<16xi32>, vector<16xi32>], vector<16xf32>, vector<16xi1>
    }
    %get3A_41 = arith.constant 0 : index
    %get3A_42 = tpu.vector_load %arg13[%get3A_41] {strides = array<i32>} : memref<64xf32, #tpu.memory_space<vmem>>, vector<16xf32>,
    %get3A_43 = arith.constant 16 : index
    %get3A_44 = tpu.vector_load %arg13[%get3A_43] {strides = array<i32>} : memref<64xf32, #tpu.memory_space<vmem>>, vector<16xf32>,
    %get3A_45 = arith.constant 32 : index
    %get3A_46 = tpu.vector_load %arg13[%get3A_45] {strides = array<i32>} : memref<64xf32, #tpu.memory_space<vmem>>, vector<16xf32>,
    %get3A_47 = arith.constant 48 : index
    %get3A_48 = tpu.vector_load %arg13[%get3A_47] {strides = array<i32>} : memref<64xf32, #tpu.memory_space<vmem>>, vector<16xf32>,
    %lt3A = arith.constant 2 : i32
    %lt3A_49 = arith.cmpi slt, %add3A, %lt3A : i32
    %convert_element_type3A = arith.extui %lt3A_49 : i1 to i32
    %cond3A = arith.constant 0 : i32
    %cond3A_50 = arith.cmpi ne, %convert_element_type3A, %cond3A : i32
    scf.if %cond3A_50 {
      %eq3A_51 = arith.constant 1 : i32
      %eq3A_52 = arith.cmpi eq, %add3A, %eq3A_51 : i32
      %select_n3A_53 = arith.select %eq3A_52, %get3A_44, %get3A_42 : vector<16xf32>
      %select_n3A_54 = arith.select %eq3A_52, %get3A_48, %get3A_46 : vector<16xf32>
      %scan3A_55 = arith.constant 0 : i32
      %scan3A_56 = arith.constant 0 : i32
      %scan3A_57 = arith.constant 8 : i32
      %scan3A_58 = arith.addi %scan3A_56, %scan3A_57 : i32
      %scan3A_59 = arith.constant 1 : i32
      scf.for %scan3A_61 = %scan3A_56 to %scan3A_58 step %scan3A_59  : i32 {
        %mul3A_62 = arith.constant 2048 : i32
        %mul3A_63 = arith.muli %scan3A_61, %mul3A_62 : i32
        %run_scoped3A = arith.constant 0 : i32
        "tpu.region"() ({
          %run_scoped3A_74 = tpu.sem_alloc : memref<!tpu.dma_semaphore, #tpu.memory_space<semaphore_mem>>
          %dma_start3A_75 = arith.constant 0 : i32
          %dma_start3A_76 = tpu.memref_slice %arg15[%run_scoped3A, %dma_start3A_75] : memref<2x10752xf32, #tpu.memory_space<vmem>> -> memref<1x2048xf32, #tpu.memory_space<vmem>>
          %dma_start3A_77 = tpu.memref_squeeze %dma_start3A_76 : memref<1x2048xf32, #tpu.memory_space<vmem>> -> memref<2048xf32, #tpu.memory_space<vmem>>
          %dma_start3A_78 = tpu.memref_slice %arg5[%mul3A_63] : memref<16384xf32, #tpu.memory_space<hbm>> -> memref<2048xf32, #tpu.memory_space<hbm>>
          %dma_start3A_79 = arith.constant 0 : i32
          %dma_start3A_80 = tpu.memref_slice %arg15[%run_scoped3A, %dma_start3A_79] : memref<2x10752xf32, #tpu.memory_space<vmem>> -> memref<1x2048xf32, #tpu.memory_space<vmem>>
          %dma_start3A_81 = tpu.memref_squeeze %dma_start3A_80 : memref<1x2048xf32, #tpu.memory_space<vmem>> -> memref<2048xf32, #tpu.memory_space<vmem>>
          %dma_start3A_82 = tpu.memref_slice %arg5[%mul3A_63] : memref<16384xf32, #tpu.memory_space<hbm>> -> memref<2048xf32, #tpu.memory_space<hbm>>
          tpu.enqueue_dma source(%dma_start3A_82 : memref<2048xf32, #tpu.memory_space<hbm>>) target(%dma_start3A_81 : memref<2048xf32, #tpu.memory_space<vmem>>) target_semaphore(%run_scoped3A_74 : memref<!tpu.dma_semaphore, #tpu.memory_space<semaphore_mem>>)
          %dma_wait3A = arith.constant 0 : i32
          %dma_wait3A_83 = tpu.memref_slice %arg15[%run_scoped3A, %dma_wait3A] : memref<2x10752xf32, #tpu.memory_space<vmem>> -> memref<1x2048xf32, #tpu.memory_space<vmem>>
          %dma_wait3A_84 = tpu.memref_squeeze %dma_wait3A_83 : memref<1x2048xf32, #tpu.memory_space<vmem>> -> memref<2048xf32, #tpu.memory_space<vmem>>
          %dma_wait3A_85 = tpu.memref_slice %arg5[%mul3A_63] : memref<16384xf32, #tpu.memory_space<hbm>> -> memref<2048xf32, #tpu.memory_space<hbm>>
          %dma_wait3A_86 = arith.constant 0 : i32
          %dma_wait3A_87 = tpu.memref_slice %arg15[%run_scoped3A, %dma_wait3A_86] : memref<2x10752xf32, #tpu.memory_space<vmem>> -> memref<1x2048xf32, #tpu.memory_space<vmem>>
          %dma_wait3A_88 = tpu.memref_squeeze %dma_wait3A_87 : memref<1x2048xf32, #tpu.memory_space<vmem>> -> memref<2048xf32, #tpu.memory_space<vmem>>
          %dma_wait3A_89 = tpu.memref_slice %arg5[%mul3A_63] : memref<16384xf32, #tpu.memory_space<hbm>> -> memref<2048xf32, #tpu.memory_space<hbm>>
          tpu.wait_dma2 semaphore(%run_scoped3A_74 : memref<!tpu.dma_semaphore, #tpu.memory_space<semaphore_mem>>) src(%dma_wait3A_89 : memref<2048xf32, #tpu.memory_space<hbm>>) dst(%dma_wait3A_88 : memref<2048xf32, #tpu.memory_space<vmem>>)
          tpu.yield
        }) : () -> ()
        %scan3A_64 = arith.constant 0 : i32
        %scan3A_65 = arith.constant 0 : i32
        %scan3A_66 = arith.constant 128 : i32
        %scan3A_67 = arith.addi %scan3A_65, %scan3A_66 : i32
        %scan3A_68 = arith.constant 1 : i32
        scf.for %scan3A_74 = %scan3A_65 to %scan3A_67 step %scan3A_68  : i32 {
          %mul3A_75 = arith.constant 16 : i32
          %mul3A_76 = arith.muli %scan3A_74, %mul3A_75 : i32
          %get3A_77 = arith.constant 0 : i32
          %get3A_78 = arith.index_cast %get3A_77 : i32 to index
          %get3A_79 = arith.index_cast %mul3A_76 : i32 to index
          %get3A_80 = tpu.vector_load %arg15[%get3A_78, %get3A_79] {strides = array<i32>} : memref<2x10752xf32, #tpu.memory_space<vmem>>, vector<16xf32>,
          %bitcast3A = vector.bitcast %get3A_80 : vector<16xf32> to vector<16xi32>
          %eq3A_81 = arith.constant 0 : i32
          %eq3A_82 = vector.broadcast %eq3A_81 : i32 to vector<16xi32>
          %eq3A_83 = arith.cmpi eq, %bitcast3A, %eq3A_82 : vector<16xi32>
          %select_n3A_84 = arith.select %eq3A_83, %select_n3A_53, %select_n3A_54 : vector<16xi1>, vector<16xf32>
          %mul3A_85 = arith.constant 16 : i32
          %mul3A_86 = arith.muli %scan3A_74, %mul3A_85 : i32
          %swap3A = arith.constant 1 : i32
          %swap3A_87 = arith.index_cast %swap3A : i32 to index
          %swap3A_88 = arith.index_cast %mul3A_86 : i32 to index
          %swap3A_89 = tpu.vector_load %arg15[%swap3A_87, %swap3A_88] {strides = array<i32>} : memref<2x10752xf32, #tpu.memory_space<vmem>>, vector<16xf32>,
          tpu.vector_store %arg15[%swap3A_87, %swap3A_88], %select_n3A_84 {strides = array<i32>} : memref<2x10752xf32, #tpu.memory_space<vmem>>, vector<16xf32>,
        }
        %scan3A_69 = arith.constant 128 : i32
        %add3A_70 = arith.constant 64 : i32
        %add3A_71 = arith.addi %add3A_70, %add3A : i32
        %mul3A_72 = arith.constant 2048 : i32
        %mul3A_73 = arith.muli %scan3A_61, %mul3A_72 : i32
        "tpu.region"() ({
          %run_scoped3A_74 = tpu.sem_alloc : memref<!tpu.dma_semaphore, #tpu.memory_space<semaphore_mem>>
          %dma_start3A_75 = arith.constant 1 : i32
          %dma_start3A_76 = arith.constant 0 : i32
          %dma_start3A_77 = tpu.memref_slice %arg15[%dma_start3A_75, %dma_start3A_76] : memref<2x10752xf32, #tpu.memory_space<vmem>> -> memref<1x2048xf32, #tpu.memory_space<vmem>>
          %dma_start3A_78 = tpu.memref_slice %arg9[%add3A_71, %mul3A_73] : memref<66x16384xf32, #tpu.memory_space<hbm>> -> memref<1x2048xf32, #tpu.memory_space<hbm>>
          %dma_start3A_79 = tpu.memref_slice %arg9[%add3A_71, %mul3A_73] : memref<66x16384xf32, #tpu.memory_space<hbm>> -> memref<1x2048xf32, #tpu.memory_space<hbm>>
          %dma_start3A_80 = arith.constant 1 : i32
          %dma_start3A_81 = arith.constant 0 : i32
          %dma_start3A_82 = tpu.memref_slice %arg15[%dma_start3A_80, %dma_start3A_81] : memref<2x10752xf32, #tpu.memory_space<vmem>> -> memref<1x2048xf32, #tpu.memory_space<vmem>>
          tpu.enqueue_dma source(%dma_start3A_82 : memref<1x2048xf32, #tpu.memory_space<vmem>>) target(%dma_start3A_79 : memref<1x2048xf32, #tpu.memory_space<hbm>>) target_semaphore(%run_scoped3A_74 : memref<!tpu.dma_semaphore, #tpu.memory_space<semaphore_mem>>)
          %dma_wait3A = arith.constant 1 : i32
          %dma_wait3A_83 = arith.constant 0 : i32
          %dma_wait3A_84 = tpu.memref_slice %arg15[%dma_wait3A, %dma_wait3A_83] : memref<2x10752xf32, #tpu.memory_space<vmem>> -> memref<1x2048xf32, #tpu.memory_space<vmem>>
          %dma_wait3A_85 = tpu.memref_slice %arg9[%add3A_71, %mul3A_73] : memref<66x16384xf32, #tpu.memory_space<hbm>> -> memref<1x2048xf32, #tpu.memory_space<hbm>>
          %dma_wait3A_86 = tpu.memref_slice %arg9[%add3A_71, %mul3A_73] : memref<66x16384xf32, #tpu.memory_space<hbm>> -> memref<1x2048xf32, #tpu.memory_space<hbm>>
          %dma_wait3A_87 = arith.constant 1 : i32
          %dma_wait3A_88 = arith.constant 0 : i32
          %dma_wait3A_89 = tpu.memref_slice %arg15[%dma_wait3A_87, %dma_wait3A_88] : memref<2x10752xf32, #tpu.memory_space<vmem>> -> memref<1x2048xf32, #tpu.memory_space<vmem>>
          tpu.wait_dma2 semaphore(%run_scoped3A_74 : memref<!tpu.dma_semaphore, #tpu.memory_space<semaphore_mem>>) src(%dma_wait3A_89 : memref<1x2048xf32, #tpu.memory_space<vmem>>) dst(%dma_wait3A_86 : memref<1x2048xf32, #tpu.memory_space<hbm>>)
          tpu.yield
        }) : () -> ()
      }
      %scan3A_60 = arith.constant 8 : i32
    } else {
    }
    "tpu.region"() ({
      %run_scoped3A = tpu.sem_alloc : memref<!tpu.dma_semaphore, #tpu.memory_space<semaphore_mem>>
      %dma_start3A_51 = arith.constant 0 : i32
      %dma_start3A_52 = tpu.memref_slice %arg9[%mul3A_2, %dma_start3A_51] : memref<66x16384xf32, #tpu.memory_space<hbm>> -> memref<2x16384xf32, #tpu.memory_space<hbm>>
      %dma_start3A_53 = arith.constant 0 : i32
      %dma_start3A_54 = tpu.memref_slice %arg9[%mul3A_2, %dma_start3A_53] : memref<66x16384xf32, #tpu.memory_space<hbm>> -> memref<2x16384xf32, #tpu.memory_space<hbm>>
      tpu.enqueue_dma source(%arg18 : memref<2x16384xf32, #tpu.memory_space<vmem>>) target(%dma_start3A_54 : memref<2x16384xf32, #tpu.memory_space<hbm>>) target_semaphore(%run_scoped3A : memref<!tpu.dma_semaphore, #tpu.memory_space<semaphore_mem>>)
      %dma_wait3A = arith.constant 0 : i32
      %dma_wait3A_55 = tpu.memref_slice %arg9[%mul3A_2, %dma_wait3A] : memref<66x16384xf32, #tpu.memory_space<hbm>> -> memref<2x16384xf32, #tpu.memory_space<hbm>>
      %dma_wait3A_56 = arith.constant 0 : i32
      %dma_wait3A_57 = tpu.memref_slice %arg9[%mul3A_2, %dma_wait3A_56] : memref<66x16384xf32, #tpu.memory_space<hbm>> -> memref<2x16384xf32, #tpu.memory_space<hbm>>
      tpu.wait_dma2 semaphore(%run_scoped3A : memref<!tpu.dma_semaphore, #tpu.memory_space<semaphore_mem>>) src(%arg18 : memref<2x16384xf32, #tpu.memory_space<vmem>>) dst(%dma_wait3A_57 : memref<2x16384xf32, #tpu.memory_space<hbm>>)
      tpu.yield
    }) : () -> ()
    return
  }
}

</mosaic_0001>

<sc_bundles>
// kernel: _emb.3.cloned.1.call-start
scs
__scs_entry_jumppad:
0x0: {  	(pc) =	sbr.rel $0x88, $3  }
0x1: {  	(tag) =	ssettag $0x0;
	lr =	simm.s32 $0x1  }
0x2: {  	[smem:$0x3F9D] =	sst lr;
	_ =	strace $0xD0000000  }
0x3: {  	_ = 	snop  }
0x4: {  	_ = 	snop  }
0x5: {  	_ = 	snop  }
0x6: {  	_ = 	snop  }
0x7: {  	_ = 	snop  }
__scs_overlays_trampoline_lowered:
0x8: {  	[smem:$0x3FAC] =	sst s0  }
0x9: {  	[smem:$0x3FAD] =	sst s1  }
0xa: {  	[smem:$0x3FAE] =	sst s2  }
0xb: {  	[smem:$0x3FAF] =	sst s3  }
0xc: {  	[smem:$0x3FB0] =	sst s4  }
0xd: {  	[smem:$0x3FB1] =	sst s5  }
0xe: {  	[smem:$0x3FB2] =	sst s6  }
0xf: {  	[smem:$0x3FB3] =	sst s7  }
0x10: {  	[smem:$0x3FB4] =	sst s8  }
0x11: {  	[smem:$0x3FB5] =	sst s9;
	s0 =	simm.s32 @!p0 $0x0  }
0x12: {  	s1 =	sld [smem:$0x3F9B];
	s0 =	simm.s32 @p0 $0x1  }
0x13: {  	[smem:$0x3FB6] =	sst s0;
	s0 =	simm.s32 @!p1 $0x0  }
0x14: {  	s2 =	sld [smem:$0x3F9A];
	s0 =	simm.s32 @p1 $0x1  }
0x15: {  	[smem:$0x3FB7] =	sst s0;
	s0 =	simm.s32 @!p2 $0x0  }
0x16: {  	s3 =	sld [smem:$0x3FDB];
	s0 =	simm.s32 @p2 $0x1  }
0x17: {  	s4 =	simm.s32 $0x1BF5;
	[smem:$0x3FB9] =	sst s0  }
0x18: {  	s0 =	sld [smem:$0x3F9C];
	_ =	swait.ge [sflag:s4], $0x0  }
0x19: {  	s7 =	sld [smem:$0x3F9D]  }
0x1a: {  	s8 =	sadd.s32 $0xFFFFE003, lr  }
0x1b: {  	s9 =	sadd.s32 $0xFFFFFEF7, lr;
	s5 =	simm.s32 $0xFFFFFFFF;
	p2 =	slt.u32 s8, $0xFFFFF086  }
0x1c: {  	p1 =	slt.u32 s9, $0xF7A;
	s5 =	simm.s32 @!p2 $0x0  }
0x1d: {  	s5 =	simm.s32 @p1 $0x1;
	p0 =	seq.s32 s7, s2  }
0x1e: {  	s7 =	smul.u32 @!p0 $0xF7A, s2;
	p2 =	seq.s32 @!p0 s5, $0x0  }
0x1f: {  	s9 =	smul.u32 $0xF7A, s1;
	s8 =	simm.s32 @!p0 $0x1BF5;
	p2 =	por !p2, p0  }
0x20: {  	[sflag:s8] =	ssyncset.s32 @!p0 $0xFFFFF086;
	s6 =	sadd.s32 @!p0 s3, s7;
	s7 =	simm.s32 @!p0 $0x108  }
0x21: {  	s3 =	sadd.s32 s3, s9;
	s6 =	sadd.s32 @!p0 $0x88, s6;
	s7 =	simm.s32 @p2 $0x1082  }
0x22: {  	[simem:s7], [sflag:s8] =	dma.local @!p0 [hbm:s6], $0xF7A  }
0x23: {  	s9 =	sor.u32 $0xD0000000, s2;
	s6 =	simm.s32 $0x108;
	_ =	swait.ge @!p0 [sflag:s8], $0x0  }
0x24: {  	s3 =	sadd.s32 $0x88, s3;
	s6 =	simm.s32 @!p1 $0x1082;
	[sflag:s4] =	ssyncset.s32 $0xFFFFF086  }
0x25: {  	[simem:s6], [sflag:s4] =	dma.local [hbm:s3], $0xF7A  }
0x26: {  	[smem:$0x3F9D] =	sst s1;
	(tag) =	ssettag s2;
	_ =	strace s9  }
0x27: {  	s1 =	sld [smem:$0x3FAD]  }
0x28: {  	s2 =	sld [smem:$0x3FAE]  }
0x29: {  	s4 =	sld [smem:$0x3FB0]  }
0x2a: {  	p0 =	seq.s32 s5, $0x0;
	s5 =	sld [smem:$0x3FB1]  }
0x2b: {  	s6 =	sld [smem:$0x3FB2]  }
0x2c: {  	s7 =	sld [smem:$0x3FB3]  }
0x2d: {  	s3 =	simm.s32 $0x108;
	s8 =	sld [smem:$0x3FB4]  }
0x2e: {  	s3 =	simm.s32 @!p0 $0x1082;
	s9 =	sld [smem:$0x3FB5]  }
0x2f: {  	lr =	sadd.s32 s0, s3;
	s0 =	sld [smem:$0x3FAC]  }
0x30: {  	s3 =	sld [smem:$0x3FAF]  }
0x31: {  	[smem:$0x3FB8] =	sst s10  }
0x32: {  	s10 =	sld [smem:$0x3FB6];
	_ =	sdelay $0x3  }
0x33: {  	p0 =	seq.s32 s10, $0x1;
	s10 =	sld [smem:$0x3FB8];
	_ =	sdelay $0x3  }
0x34: {  	[smem:$0x3FB8] =	sst s10  }
0x35: {  	s10 =	sld [smem:$0x3FB7];
	_ =	sdelay $0x3  }
0x36: {  	p1 =	seq.s32 s10, $0x1;
	s10 =	sld [smem:$0x3FB8];
	_ =	sdelay $0x3  }
0x37: {  	[smem:$0x3FB8] =	sst s10  }
0x38: {  	s10 =	sld [smem:$0x3FB9]  }
0x39: {  	_ = 	snop;
	(pc) =	sbr.ind lr, $3  }
0x3a: {  	_ = 	snop  }
0x3b: {  	_ = 	snop  }
0x3c: {  	p2 =	seq.s32 s10, $0x1;
	s10 =	sld [smem:$0x3FB8]  }
0x3d: {  	_ =	shalt  }
0x3e: {  	_ =	shalt  }
0x3f: {  	_ =	shalt  }
0x40: {  	_ =	shalt  }
0x41: {  	_ =	shalt  }
0x42: {  	_ =	shalt  }
0x43: {  	_ =	shalt  }
0x44: {  	_ =	shalt  }
0x45: {  	_ =	shalt  }
0x46: {  	_ =	shalt  }
0x47: {  	_ =	shalt  }
0x48: {  	_ =	shalt  }
0x49: {  	_ =	shalt  }
0x4a: {  	_ =	shalt  }
0x4b: {  	_ =	shalt  }
0x4c: {  	_ =	shalt  }
0x4d: {  	_ =	shalt  }
0x4e: {  	_ =	shalt  }
0x4f: {  	_ =	shalt  }
0x50: {  	_ =	shalt  }
0x51: {  	_ =	shalt  }
0x52: {  	_ =	shalt  }
0x53: {  	_ =	shalt  }
0x54: {  	_ =	shalt  }
0x55: {  	_ =	shalt  }
0x56: {  	_ =	shalt  }
0x57: {  	_ =	shalt  }
0x58: {  	_ =	shalt  }
0x59: {  	_ =	shalt  }
0x5a: {  	_ =	shalt  }
0x5b: {  	_ =	shalt  }
0x5c: {  	_ =	shalt  }
0x5d: {  	_ =	shalt  }
0x5e: {  	_ =	shalt  }
0x5f: {  	_ =	shalt  }
0x60: {  	_ =	shalt  }
0x61: {  	_ =	shalt  }
0x62: {  	_ =	shalt  }
0x63: {  	_ =	shalt  }
0x64: {  	_ =	shalt  }
0x65: {  	_ =	shalt  }
0x66: {  	_ =	shalt  }
0x67: {  	_ =	shalt  }
0x68: {  	_ =	shalt  }
0x69: {  	_ =	shalt  }
0x6a: {  	_ =	shalt  }
0x6b: {  	_ =	shalt  }
0x6c: {  	_ =	shalt  }
0x6d: {  	_ =	shalt  }
0x6e: {  	_ =	shalt  }
0x6f: {  	_ =	shalt  }
0x70: {  	_ =	shalt  }
0x71: {  	_ =	shalt  }
0x72: {  	_ =	shalt  }
0x73: {  	_ =	shalt  }
0x74: {  	_ =	shalt  }
0x75: {  	_ =	shalt  }
0x76: {  	_ =	shalt  }
0x77: {  	_ =	shalt  }
0x78: {  	_ =	shalt  }
0x79: {  	_ =	shalt  }
0x7a: {  	_ =	shalt  }
0x7b: {  	_ =	shalt  }
0x7c: {  	_ =	shalt  }
0x7d: {  	_ =	shalt  }
0x7e: {  	_ =	shalt  }
0x7f: {  	_ =	shalt  }
0x80: {  	_ =	shalt  }
0x81: {  	_ =	shalt  }
0x82: {  	_ =	shalt  }
0x83: {  	_ =	shalt  }
0x84: {  	_ =	shalt  }
0x85: {  	_ =	shalt  }
0x86: {  	_ =	shalt  }
0x87: {  	_ =	shalt  }
.Lfunc_end0:
.L_simem_size_0:
called_computation_lowered:
.L_overlay_start_0:
0x88: {  	s2 =	sld [smem:$0x3FD9]  }
0x89: {  	s3 =	sld [smem:$0x3FFE];
	_ =	sdelay $0x1  }
0x8a: {  	s1 =	srdreg.scid  }
0x8b: {  	s0 =	sand.u32 $0x1, s1  }
0x8c: {  	s17 =	sshll.u32 s0, $0xA;
	s2 =	sadd.s32 s3, s2  }
0x8d: {  	s2 =	sadd.s32 s2, s17  }
0x8e: {  	[smem:$0x3FC4] =	sst s2  }
0x8f: {  	_ = 	snop  }
0x90: {  	s2 =	sld [smem:$0x3FC7]  }
0x91: {  	s18 =	sld [smem:$0x3FD0];
	(tm) =	ssettm $0x1  }
0x92: {  	s4 =	sld [smem:$0x3FFB];
	_ =	sdelay $0x3  }
0x93: {  	_ =	strace s4  }
0x94: {  	s4 =	sld [smem:$0x3FFC];
	_ =	sdelay $0x3  }
0x95: {  	_ =	strace s4  }
0x96: {  	s4 =	sld [smem:$0x3FFD];
	_ =	sdelay $0x3  }
0x97: {  	_ =	strace s4  }
0x98: {  	_ =	strace $0x8FFFFFFF  }
0x99: {  	s19 =	sld [smem:$0x3FDB];
	_ =	sdelay $0x1  }
0x9a: {  	s5 =	simm.s32 $_scs_section_size  }
0x9b: {  	s6 =	simm.s32 $_size__tile_overlayer_lowered;
	s7 =	simm.s32 $_tile_overlayer_lowered  }
0x9c: {  	s22 =	simm.s32 $0x1BFF;
	s21 =	sshll.u32 s7, $0x1;
	s4 =	sadd.s32 s5, s19  }
0x9d: {  	s8 =	simm.s32 $0x0;
	s20 =	sshll.u32 s6, $0x1;
	s6 =	sadd.s32 s21, s4  }
0x9e: {  	[timem:s8], [sflag:s22] =	dma.local [hbm:s6], s20  }
0x9f: {  	_ =	swait.ge [sflag:s22], s20  }
0xa0: {  	s5 =	ssub.s32 $0x0, s20;
	[sflag:s22] =	ssyncset.done $0x0  }
0xa1: {  	[sflag:s22] =	ssyncadd.s32 s5;
	_ =	sdelay $0x1  }
0xa2: {  	s23 =	simm.s32 $0x1B8B  }
0xa3: {  	_ =	swait.ge [sflag:s23], $0x1  }
0xa4: {  	[sflag:s23] =	ssyncset.done $0x0  }
0xa5: {  	s25 =	simm.s32 $0x1B8E;
	s24 =	sld [smem:$0x3FFE];
	[sflag:s23] =	ssyncadd.s32 $0xFFFFFFFF  }
0xa6: {  	s26 =	simm.s32 $execute0_lowered;
	[smem:$0x3FD2] =	sst s25  }
0xa7: {  	s6 =	sshll.u32 s26, $0x1;
	_ =	strace $0x80000046;
	[dreg:$0x1] =	wrdreg $0xFFFFFFFF  }
0xa8: {  	s28 =	simm.s32 $_size_execute0_lowered;
	s4 =	sadd.s32 s4, s6;
	[dreg:$0x0] =	wrdreg $0x0  }
0xa9: {  	s6 =	sshll.u32 s28, $0x1;
	[dreg:$0x2] =	wrdreg s4  }
0xaa: {  	[dreg:$0x3] =	wrdreg s6  }
0xab: {  	[dreg:$0x4] =	wrdreg $0xC0  }
0xac: {  	_ =	task [dreg:s8], $0x5FFFF  }
0xad: {  	[dreg:$0x1] =	wrdreg $0xFFFFFFFF  }
0xae: {  	[dreg:$0x0] =	wrdreg $0x60  }
0xaf: {  	[dreg:$0x2] =	wrdreg s24  }
0xb0: {  	[dreg:$0x3] =	wrdreg s2  }
0xb1: {  	[dreg:$0x4] =	wrdreg s18  }
0xb2: {  	[dreg:$0x5] =	wrdreg $0x9  }
0xb3: {  	_ =	task.clear_ibuf [dreg:s8], $0x6FFFF;
	_ =	strace $0x90000046  }
0xb4: {  	s29 =	simm.s32 $0x9;
	_ =	strace $0x80000048  }
0xb5: {  	_ =	swait.ge [sflag:s29], $0x1  }
0xb6: {  	[sflag:s29] =	ssyncadd.s32 $0xFFFFFFFF  }
0xb7: {  	_ =	strace $0x90000048  }
0xb8: {  	_ =	sfence  }
0xb9: {  	s30 =	sld [smem:$0x0];
	_ =	sdelay $0x2  }
0xba: {  	s31 =	sshll.u32 s1, $0xD;
	s1 =	sshrl.u32 s1, $0x2  }
0xbb: {  	s3 =	sand.u32 $0x4000, s31;
	s1 =	sadd.s32 s1, s30  }
0xbc: {  	s0 =	sor.u32 s3, s0;
	s1 =	sshll.u32 s1, $0x11  }
0xbd: {  	s0 =	sor.u32 s1, s0  }
0xbe: {  	s0 =	sadd.s32 $0x8F2B, s0  }
0xbf: {  	[sflag:s0] =	ssyncadd.remote.s32 $0x1  }
0xc0: {  	_ =	sfence.sel $0xFFFF  }
0xc1: {  	[dreg:$0x0] =	wrdreg $0xFFFFFFFF;
	(pc) =	sbr.abs _section_cstart, $3  }
0xc2: {  	[dreg:$0x1] =	wrdreg $0xFFFFFFFF  }
0xc3: {  	_ =	task.clear_ibuf [dreg:s8], $0x2FFFF;
	_ =	strace $0x9FFFFFFF  }
0xc4: {  	(tm) =	ssettm $0x7FFFFFFF  }
0xc5: {  	_ =	shalt  }
tec
execute0_lowered:
.L_overlay_start_1:
0x0: {  	(tag) =	ssettag $0x1  }
0x1: {  	s14 =	rddreg [dreg:$0x0]  }
0x2: {  	s2 =	rddreg [dreg:$0x1]  }
0x3: {  	s0 =	rddreg [dreg:$0x2];
	s3 =	simm.s32 $0x0  }
0x4: {  	s1 =	srdreg.scid;
	s4 =	stileid.u32;
	s16 =	simm.s32 $0x4  }
0x5: {  	s28 =	simm.s32 $0x1;
	s29 =	simm.s32 $0x12A00;
	s30 =	simm.s32 $0x17E00  }
0x6: {  	s31 =	simm.s32 $0x2;
	s17 =	simm.s32 $0x9180;
	[smem:$0x7FF] =	sst s3  }
0x7: {  	s1 =	sand.u32 $0x1, s1;
	s5 =	sshll.u32 s4, $0x1;
	s6 =	sadd.s32 $0x1600, s14  }
0x8: {  	s18 =	sadd.s32 $0xE00, s14;
	_ =	strace $0x80000047;
	[dreg:$0x4] =	wrdreg s6  }
0x9: {  	s19 =	sadd.s32 $0x1E00, s14;
	s20 =	sshrl.u32 s4, $0x1;
	[dreg:$0x5] =	wrdreg s18  }
0xa: {  	p0 =	sne.s32 s4, $0x0;
	s5 =	sor.u32 s1, s5;
	[dreg:$0x6] =	wrdreg s19  }
0xb: {  	s8 =	sshll.u32 s20, $0xA;
	s10 =	smul.u32 $0x7A1400, s20;
	s11 =	ssub.s32 $0x2, s1  }
0xc: {  	s1 =	sshll.u32 s1, $0x4;
	s6 =	sshll.u32 s20, $0x11;
	s20 =	simm.s32 $0x8100  }
0xd: {  	s18 =	simm.s32 $0x0;
	s7 =	sshll.u32 s5, $0x8;
	s13 =	sshrl.u32 s11, $0x1  }
0xe: {  	s1 =	sadd.s32 s1, s0;
	p1 =	seq.s32 s5, $0x1;
	s9 =	sand.u32 $0x300, s7  }
0xf: {  	s7 =	sadd.s32 $0x600, s14;
	s11 =	ssub.s32 s11, s13;
	s13 =	sadd.s32 $0x20000, s1  }
0x10: {  	s8 =	sor.u32 s8, s9;
	s6 =	sor.u32 s6, s9;
	s26 =	smax.u32 s11, $0x1  }
0x11: {  	s12 =	sshrl.u32 s8, $0x3;
	s8 =	sor.u32 s10, s9;
	s25 =	sshrl.u32 s6, $0x3  }
0x12: {  	[dreg:$0xb] =	wrdreg s26;
	s26 =	simm.s32 $0xD600;
	s21 =	sadd.s32 s12, s14  }
0x13: {  	s22 =	sshrl.u32 s8, $0x3;
	s24 =	sadd.s32 $0x15000, s8;
	s12 =	sadd.s32 $0x54000, s8  }
0x14: {  	s0 =	sadd.s32 s0, s25;
	s25 =	simm.s32 $0x9080;
	s10 =	sadd.s32 $0x200, s21  }
0x15: {  	s23 =	sadd.s32 s2, s22;
	[dreg:$0xa] =	wrdreg s0;
	s21 =	simm.s32 $0x100  }
.Ltmp0:
0x16: {  	s0 =	simm.s32 $0x8090;
	[dreg:$0x7] =	wrdreg s10;
	(pc) =	sbr.rel .LBB2_1-.Ltmp0, $4  }
0x17: {  	[dreg:$0x8] =	wrdreg s23;
	s10 =	sshrl.u32 s24, $0x3;
	s0 =	simm.s32 @!p1 $0x8080  }
0x18: {  	s10 =	sadd.s32 s2, s10;
	[dreg:$0xc] =	wrdreg s0;
	s0 =	simm.s32 $0x80B0  }
0x19: {  	s22 =	simm.s32 $0x400;
	[dreg:$0x9] =	wrdreg s10;
	s0 =	simm.s32 @!p1 $0x80A0  }
0x1a: {  	v0 =	vlaneseq.u32;
	vm0 =	vcmask $0x373C;
	s23 =	simm.s32 $0x8200;
	[dreg:$0xd] =	wrdreg s0;
	s0 =	simm.s32 $0x3  }
.LBB2_15:
.Ltmp1:
0x1b: {  	(pc) =	sbr.rel @!p0 .LBB2_16-.Ltmp1, $2  }
0x1c: {  	_ =	sdelay $0x2  }
0x1d: {  	s14 =	simm.s32 $0x8300;
	s15 =	simm.s32 $0x8400;
	s19 =	simm.s32 $0x8500  }
.LBB2_20:
0x1e: {  	s1 =	rddreg [dreg:$0xa]  }
0x1f: {  	[hbm4b:s1+s21] =	stream.strided.scatter [tilespmem:s30], [sflag:$0x4], $0x8000, s22, s21, $0x38;
	[tilespmem:$0x1FE00] =	vst v63  }
0x20: {  	_ =	swait.ge [sflag:s16], $0x8000  }
0x21: {  	s18 =	sadd.s32 $0x1, s18;
	s24 =	rddreg [dreg:$0xb]  }
0x22: {  	p1 =	sne.s32 s18, s24  }
.Ltmp2:
0x23: {  	_ = 	snop;
	(pc) =	sbr.rel @!p1 .LBB2_21-.Ltmp2, $3  }
0x24: {  	_ =	sdelay $0x1  }
0x25: {  	[sflag:s16] =	ssyncset.done $0x0  }
0x26: {  	[sflag:s16] =	ssyncadd.s32 $0xFFFF8000  }
.LBB2_1:
0x27: {  	s1 =	rddreg [dreg:$0x4]  }
0x28: {  	[tilespmem:s3], [sflag:$0x4] =	stream.linear.gather [hbm4b:s1+s3], $0x4000, $0x38;
	[tilespmem:$0x1FE00] =	vst v63  }
0x29: {  	_ =	swait.ge [sflag:s16], $0x4000  }
0x2a: {  	[sflag:s16] =	ssyncset.done $0x0  }
0x2b: {  	s4 =	simm.s32 $0x4000;
	s6 =	rddreg [dreg:$0x5];
	[sflag:s16] =	ssyncadd.s32 $0xFFFFC000  }
0x2c: {  	[tilespmem:s4], [sflag:$0x4] =	stream.linear.gather [hbm4b:s6+s3], $0x4000, $0x38;
	[tilespmem:$0x1FE00] =	vst v63  }
0x2d: {  	_ =	swait.ge [sflag:s16], $0x4000  }
0x2e: {  	[sflag:s16] =	ssyncset.done $0x0  }
0x2f: {  	s10 =	simm.s32 $0x8000;
	s9 =	rddreg [dreg:$0x6];
	[sflag:s16] =	ssyncadd.s32 $0xFFFFC000  }
0x30: {  	[tilespmem:s10], [sflag:$0x4] =	stream.linear.gather [hbm4b:s9+s3], $0x80, $0x38;
	[tilespmem:$0x1FE00] =	vst v63  }
0x31: {  	_ =	swait.ge [sflag:s16], $0x80  }
0x32: {  	[sflag:s16] =	ssyncset.done $0x0  }
0x33: {  	[sflag:s16] =	ssyncadd.s32 $0xFFFFFF80  }
0x34: {  	s14 =	simm.s32 $0x8080;
	s11 =	rddreg [dreg:$0x0]  }
0x35: {  	[tilespmem:s14], [sflag:$0x4] =	stream.linear.gather [hbm4b:s11+s3], $0x80, $0x38;
	[tilespmem:$0x1FE00] =	vst v63  }
0x36: {  	_ =	swait.ge [sflag:s16], $0x80  }
0x37: {  	[sflag:s16] =	ssyncset.done $0x0  }
0x38: {  	s15 =	rddreg [dreg:$0x7];
	[sflag:s16] =	ssyncadd.s32 $0xFFFFFF80  }
0x39: {  	[tilespmem:s20], [sflag:$0x4] =	stream.linear.gather [hbm4b:s15+s3], $0x100, $0x38;
	[tilespmem:$0x1FE00] =	vst v63  }
0x3a: {  	_ =	swait.ge [sflag:s16], $0x100  }
.Ltmp3:
0x3b: {  	[sflag:s16] =	ssyncset.done $0x0;
	(pc) =	sbr.rel .LBB2_2-.Ltmp3, $4  }
0x3c: {  	s19 =	rddreg [dreg:$0x8];
	[sflag:s16] =	ssyncadd.s32 $0xFFFFFF00  }
0x3d: {  	[tilespmem:s23], [sflag:$0x1] =	stream.strided.gather [hbm4b:s19+s21], $0x5400, s22, s21, $0x38;
	[tilespmem:$0x1FE00] =	vst v63  }
0x3e: {  	s4 =	simm.s32 $0x0;
	s24 =	rddreg [dreg:$0x9];
	s19 =	simm.s32 $0x0  }
0x3f: {  	[tilespmem:s26], [sflag:$0x2] =	stream.strided.gather [hbm4b:s24+s21], $0x5400, s22, s21, $0x38;
	[tilespmem:$0x1FE00] =	vst v63  }
.LBB2_11:
0x40: {  	s19 =	sadd.s32 $0x1, s19  }
0x41: {  	p1 =	sne.s32 s19, $0x1F  }
.Ltmp4:
0x42: {  	_ = 	snop;
	(pc) =	sbr.rel @!p1 .LBB2_12-.Ltmp4, $1  }
0x43: {  	_ =	sdelay $0x3  }
.LBB2_2:
0x44: {  	s9 =	smul.u32 $0x3, s19;
	_ =	sdelay $0x1  }
0x45: {  	s1 =	sadd.s32 $0x2, s9  }
0x46: {  	s5 =	smul.u32 $0x15000, s1;
	_ =	sdelay $0x1  }
0x47: {  	_ =	swait.ge [sflag:s28], $0x5400;
	s5 =	sadd.s32 s8, s5  }
0x48: {  	[sflag:s28] =	ssyncset.done $0x0;
	s5 =	sshrl.u32 s5, $0x3  }
0x49: {  	[sflag:s28] =	ssyncadd.s32 $0xFFFFAC00;
	s5 =	sadd.s32 s2, s5  }
0x4a: {  	[tilespmem:s29], [sflag:$0x3] =	stream.strided.gather [hbm4b:s5+s21], $0x5400, s22, s21, $0x38;
	[tilespmem:$0x1FE00] =	vst v63  }
0x4b: {  	s5 =	sadd.s32 $0x1, s9  }
0x4c: {  	s6 =	sand.u32 $0xF0, s5  }
0x4d: {  	v1 =	vld [tilespmem:s6+$0x8000];
	_ =	sdelay $0x1  }
0x4e: {  	s24 =	sand.u32 $0xF, s5  }
0x4f: {  	v2 =	vmov s24  }
0x50: {  	vm1 =	veq.s32 v2, v0  }
0x51: {  	v1 =	vnsel vm1, $0x0, v1  }
0x52: {  	(xrf0) =	vadd.scan.msk.s32 $0xffff, v1;
	_ =	sdelay $0x5  }
0x53: {  	v1, _, _ =	vpop (xrf0)  }
0x54: {  	(v2sf) =	vpush v1, $0xF;
	_ =	sdelay $0xe  }
0x55: {  	s6 =	spop (v2sf)  }
0x56: {  	s10 =	sadd.s32 $0x1F, s6  }
0x57: {  	s11 =	sshra.s32 s4, $0x5;
	s10 =	sshra.s32 s10, $0x5  }
0x58: {  	p1 =	sle.s32 s10, s11  }
.Ltmp5:
0x59: {  	_ = 	snop;
	(pc) =	sbr.rel @p1 .LBB2_5-.Ltmp5, $2  }
0x5a: {  	_ =	sdelay $0x2  }
0x5b: {  	v1 =	vbroadcast v1, $0xF  }
0x5c: {  	s14 =	smul.u32 $0x7E00, s19;
	s15 =	sshll.u32 s11, $0x7  }
0x5d: {  	s10 =	ssub.s32 s10, s11;
	s15 =	sshra.s32 s15, $0x2  }
0x5e: {  	v2 =	vmov s4;
	s4 =	sshll.u32 s11, $0x5;
	v3 =	vmov s14;
	s11 =	sadd.s32 $0x4010, s15;
	s14 =	sor.u32 $0x10, s15  }
.LBB2_4:
0x5f: {  	v4 =	vld [tilespmem:s14+$0xFFFFFFF0];
	_ =	sdelay $0x4  }
0x60: {  	v4 =	vsub.s32 v4, v3  }
0x61: {  	vm1 =	vgt.s32 v4, $0x0  }
0x62: {  	v4 =	vnsel vm1, $0x0, v4  }
0x63: {  	v4 =	vmin.u32 v4, $0x29FF  }
0x64: {  	v5 =	vld [tilespmem:s11+$0xFFFFFFF0];
	v6 =	vshll.u32 v4, $0x1  }
0x65: {  	v4 =	vand.u32 $0x7F, v4;
	v6 =	vand.u32 $0x7F00, v6  }
0x66: {  	v4 =	vor.u32 v4, v6  }
0x67: {  	v6 =	vor.u32 $0x80, v4  }
0x68: {  	v7 =	vor.u32 s4, v0  }
0x69: {  	vm2 =	vlt.s32 v7, v1;
	v60 =	vshll.u32 v5, $0x1;
	vm1 =	vge.s32 v7, v2  }
0x6a: {  	v5 =	vand.u32 $0x7F, v5;
	v7 =	vand.u32 $0xFFFFFF00, v60;
	vm1 =	vmand vm1, vm2  }
0x6b: {  	v5 =	vor.u32 v5, v7;
	v4 =	vld.idx.msk [tilespmem:v4+s23+$0x0], $0xffff  }
0x6c: {  	v7 =	vor.u32 $0x80, v5;
	v6 =	vld.idx.msk [tilespmem:v6+s23+$0x0], $0xffff;
	_ =	sdelay $0x3  }
0x6d: {  	[tilespmem:v5+s30+$0x0] =	vst.idx.msk vm1, v4  }
0x6e: {  	[tilespmem:v7+s30+$0x0] =	vst.idx.msk vm1, v6  }
0x6f: {  	v4 =	vld [tilespmem:s14+$0x0];
	_ =	sdelay $0x4  }
0x70: {  	v4 =	vsub.s32 v4, v3  }
0x71: {  	vm1 =	vgt.s32 v4, $0x0  }
0x72: {  	v4 =	vnsel vm1, $0x0, v4  }
0x73: {  	v4 =	vmin.u32 v4, $0x29FF  }
0x74: {  	v5 =	vld [tilespmem:s11+$0x0];
	v61 =	vshll.u32 v4, $0x1  }
0x75: {  	v4 =	vand.u32 $0x7F, v4;
	v6 =	vand.u32 $0x7F00, v61  }
0x76: {  	v4 =	vor.u32 v4, v6  }
0x77: {  	s15 =	sadd.s32 $0x10, s4;
	v6 =	vor.u32 $0x80, v4  }
0x78: {  	v62 =	vor.u32 s15, v0  }
0x79: {  	vm2 =	vlt.s32 v62, v1;
	v63 =	vshll.u32 v5, $0x1;
	vm1 =	vge.s32 v62, v2  }
0x7a: {  	v5 =	vand.u32 $0x7F, v5;
	v7 =	vand.u32 $0xFFFFFF00, v63;
	vm1 =	vmand vm1, vm2  }
0x7b: {  	v5 =	vor.u32 v5, v7;
	v4 =	vld.idx.msk [tilespmem:v4+s23+$0x0], $0xffff  }
0x7c: {  	p1 =	sne.s32 s10, $0x1;
	v7 =	vor.u32 $0x80, v5;
	v6 =	vld.idx.msk [tilespmem:v6+s23+$0x0], $0xffff  }
.Ltmp6:
0x7d: {  	_ = 	snop;
	(pc) =	sbr.rel @p1 .LBB2_4-.Ltmp6, $3  }
0x7e: {  	_ =	sdelay $0x1  }
0x7f: {  	s4 =	sadd.s32 $0x20, s4;
	[tilespmem:v5+s30+$0x0] =	vst.idx.msk vm1, v4  }
0x80: {  	s10 =	sadd.s32 $0xFFFFFFFF, s10;
	s11 =	sadd.s32 $0x20, s11;
	s14 =	sadd.s32 $0x20, s14;
	[tilespmem:v7+s30+$0x0] =	vst.idx.msk vm1, v6  }
.LBB2_5:
0x81: {  	s4 =	sadd.s32 $0x3, s9;
	p1 =	seq.s32 s19, $0x1E  }
0x82: {  	s9 =	smul.u32 @!p1 $0x15000, s4  }
0x83: {  	_ =	swait.ge [sflag:s31], $0x5400  }
0x84: {  	[sflag:s31] =	ssyncset.done $0x0;
	s9 =	sadd.s32 @!p1 s8, s9  }
0x85: {  	s11 =	simm.s32 @!p1 $0x400;
	s14 =	simm.s32 @!p1 $0x8200;
	s9 =	sshrl.u32 @!p1 s9, $0x3  }
0x86: {  	[sflag:s31] =	ssyncadd.s32 $0xFFFFAC00;
	s10 =	sadd.s32 @!p1 s2, s9;
	s9 =	simm.s32 @!p1 $0x100  }
0x87: {  	[tilespmem:s14], [sflag:$0x1] =	stream.strided.gather @!p1 [hbm4b:s10+s9], $0x5400, s11, s9, $0x38;
	[tilespmem:$0x1FE00] =	vst v63  }
0x88: {  	s14 =	sand.u32 $0xF0, s1  }
0x89: {  	v2 =	vld [tilespmem:s14+$0x8000];
	_ =	sdelay $0x1  }
0x8a: {  	s15 =	sand.u32 $0xF, s1  }
0x8b: {  	v3 =	vmov s15  }
0x8c: {  	vm1 =	veq.s32 v3, v0  }
0x8d: {  	v2 =	vnsel vm1, $0x0, v2  }
0x8e: {  	(xrf0) =	vadd.scan.msk.s32 $0xffff, v2;
	_ =	sdelay $0x5  }
0x8f: {  	v2, _, _ =	vpop (xrf0)  }
0x90: {  	(v2sf) =	vpush v2, $0xF;
	_ =	sdelay $0xe  }
0x91: {  	s10 =	spop (v2sf)  }
0x92: {  	s24 =	sadd.s32 $0x1F, s10  }
0x93: {  	s6 =	sshra.s32 s6, $0x5;
	s14 =	sshra.s32 s24, $0x5  }
0x94: {  	p2 =	sle.s32 s14, s6  }
.Ltmp7:
0x95: {  	_ = 	snop;
	(pc) =	sbr.rel @p2 .LBB2_8-.Ltmp7, $2  }
0x96: {  	_ =	sdelay $0x2  }
0x97: {  	v2 =	vbroadcast v2, $0xF  }
0x98: {  	s15 =	smul.u32 $0x2A00, s5;
	s24 =	sshll.u32 s6, $0x7  }
0x99: {  	s5 =	ssub.s32 s14, s6;
	s24 =	sshra.s32 s24, $0x2  }
0x9a: {  	s6 =	sshll.u32 s6, $0x5;
	v3 =	vmov s15;
	s14 =	sadd.s32 $0x4010, s24;
	s15 =	sor.u32 $0x10, s24  }
.LBB2_7:
0x9b: {  	v4 =	vld [tilespmem:s15+$0xFFFFFFF0];
	_ =	sdelay $0x4  }
0x9c: {  	v4 =	vsub.s32 v4, v3  }
0x9d: {  	vm1 =	vgt.s32 v4, $0x0  }
0x9e: {  	v4 =	vnsel vm1, $0x0, v4  }
0x9f: {  	v4 =	vmin.u32 v4, $0x29FF  }
0xa0: {  	v5 =	vld [tilespmem:s14+$0xFFFFFFF0];
	v6 =	vshll.u32 v4, $0x1  }
0xa1: {  	v4 =	vand.u32 $0x7F, v4;
	v6 =	vand.u32 $0x7F00, v6  }
0xa2: {  	v4 =	vor.u32 v4, v6  }
0xa3: {  	v6 =	vor.u32 $0x80, v4  }
0xa4: {  	v7 =	vor.u32 s6, v0  }
0xa5: {  	vm2 =	vlt.s32 v7, v2;
	v60 =	vshll.u32 v5, $0x1;
	vm1 =	vge.s32 v7, v1  }
0xa6: {  	v5 =	vand.u32 $0x7F, v5;
	v7 =	vand.u32 $0xFFFFFF00, v60;
	vm1 =	vmand vm1, vm2  }
0xa7: {  	v5 =	vor.u32 v5, v7;
	v4 =	vld.idx.msk [tilespmem:v4+s26+$0x0], $0xffff  }
0xa8: {  	v7 =	vor.u32 $0x80, v5;
	v6 =	vld.idx.msk [tilespmem:v6+s26+$0x0], $0xffff;
	_ =	sdelay $0x3  }
0xa9: {  	[tilespmem:v5+s30+$0x0] =	vst.idx.msk vm1, v4  }
0xaa: {  	[tilespmem:v7+s30+$0x0] =	vst.idx.msk vm1, v6  }
0xab: {  	v4 =	vld [tilespmem:s15+$0x0];
	_ =	sdelay $0x4  }
0xac: {  	v4 =	vsub.s32 v4, v3  }
0xad: {  	vm1 =	vgt.s32 v4, $0x0  }
0xae: {  	v4 =	vnsel vm1, $0x0, v4  }
0xaf: {  	v4 =	vmin.u32 v4, $0x29FF  }
0xb0: {  	v5 =	vld [tilespmem:s14+$0x0];
	v61 =	vshll.u32 v4, $0x1  }
0xb1: {  	v4 =	vand.u32 $0x7F, v4;
	v6 =	vand.u32 $0x7F00, v61  }
0xb2: {  	v4 =	vor.u32 v4, v6  }
0xb3: {  	s24 =	sadd.s32 $0x10, s6;
	v6 =	vor.u32 $0x80, v4  }
0xb4: {  	v62 =	vor.u32 s24, v0  }
0xb5: {  	vm2 =	vlt.s32 v62, v2;
	v63 =	vshll.u32 v5, $0x1;
	vm1 =	vge.s32 v62, v1  }
0xb6: {  	v5 =	vand.u32 $0x7F, v5;
	v7 =	vand.u32 $0xFFFFFF00, v63;
	vm1 =	vmand vm1, vm2  }
0xb7: {  	v5 =	vor.u32 v5, v7;
	v4 =	vld.idx.msk [tilespmem:v4+s26+$0x0], $0xffff  }
0xb8: {  	p2 =	sne.s32 s5, $0x1;
	v7 =	vor.u32 $0x80, v5;
	v6 =	vld.idx.msk [tilespmem:v6+s26+$0x0], $0xffff  }
.Ltmp8:
0xb9: {  	_ = 	snop;
	(pc) =	sbr.rel @p2 .LBB2_7-.Ltmp8, $3  }
0xba: {  	_ =	sdelay $0x1  }
0xbb: {  	s6 =	sadd.s32 $0x20, s6;
	[tilespmem:v5+s30+$0x0] =	vst.idx.msk vm1, v4  }
0xbc: {  	s5 =	sadd.s32 $0xFFFFFFFF, s5;
	s14 =	sadd.s32 $0x20, s14;
	s15 =	sadd.s32 $0x20, s15;
	[tilespmem:v7+s30+$0x0] =	vst.idx.msk vm1, v6  }
.LBB2_8:
0xbd: {  	s5 =	smul.u32 @!p1 $0x3F000, s19;
	_ =	sdelay $0x1  }
0xbe: {  	_ =	swait.ge [sflag:s0], $0x5400;
	s5 =	sadd.s32 @!p1 s5, s12  }
0xbf: {  	s6 =	simm.s32 @!p1 $0xD600;
	[sflag:s0] =	ssyncset.done $0x0;
	s5 =	sshrl.u32 @!p1 s5, $0x3  }
0xc0: {  	s14 =	sand.u32 $0xF0, s4;
	[sflag:s0] =	ssyncadd.s32 $0xFFFFAC00;
	s5 =	sadd.s32 @!p1 s2, s5  }
0xc1: {  	[tilespmem:s6], [sflag:$0x2] =	stream.strided.gather @!p1 [hbm4b:s5+s9], $0x5400, s11, s9, $0x38;
	[tilespmem:$0x1FE00] =	vst v63  }
0xc2: {  	v1 =	vld [tilespmem:s14+$0x8000];
	_ =	sdelay $0x1  }
0xc3: {  	s15 =	sand.u32 $0xF, s4  }
0xc4: {  	v3 =	vmov s15  }
0xc5: {  	vm1 =	veq.s32 v3, v0  }
0xc6: {  	v1 =	vnsel vm1, $0x0, v1  }
0xc7: {  	(xrf0) =	vadd.scan.msk.s32 $0xffff, v1;
	_ =	sdelay $0x5  }
0xc8: {  	v1, _, _ =	vpop (xrf0)  }
0xc9: {  	(v2sf) =	vpush v1, $0xF;
	_ =	sdelay $0xe  }
0xca: {  	s4 =	spop (v2sf)  }
0xcb: {  	s24 =	sadd.s32 $0x1F, s4  }
0xcc: {  	s5 =	sshra.s32 s10, $0x5;
	s6 =	sshra.s32 s24, $0x5  }
0xcd: {  	p1 =	sle.s32 s6, s5  }
.Ltmp9:
0xce: {  	_ = 	snop;
	(pc) =	sbr.rel @p1 .LBB2_11-.Ltmp9, $1  }
0xcf: {  	_ =	sdelay $0x3  }
0xd0: {  	s9 =	smul.u32 $0x2A00, s1;
	s10 =	sshll.u32 s5, $0x7  }
0xd1: {  	s1 =	ssub.s32 s6, s5;
	s10 =	sshra.s32 s10, $0x2  }
0xd2: {  	v3 =	vbroadcast v1, $0xF;
	s5 =	sshll.u32 s5, $0x5;
	v4 =	vmov s9;
	s6 =	sadd.s32 $0x4010, s10;
	s9 =	sor.u32 $0x10, s10  }
.LBB2_10:
0xd3: {  	v5 =	vld [tilespmem:s9+$0xFFFFFFF0];
	_ =	sdelay $0x4  }
0xd4: {  	v5 =	vsub.s32 v5, v4  }
0xd5: {  	vm1 =	vgt.s32 v5, $0x0  }
0xd6: {  	v5 =	vnsel vm1, $0x0, v5  }
0xd7: {  	v5 =	vmin.u32 v5, $0x29FF  }
0xd8: {  	v6 =	vld [tilespmem:s6+$0xFFFFFFF0];
	v7 =	vshll.u32 v5, $0x1  }
0xd9: {  	v5 =	vand.u32 $0x7F, v5;
	v7 =	vand.u32 $0x7F00, v7  }
0xda: {  	v5 =	vor.u32 v5, v7  }
0xdb: {  	v7 =	vor.u32 $0x80, v5  }
0xdc: {  	v8 =	vor.u32 s5, v0  }
0xdd: {  	vm2 =	vlt.s32 v8, v3;
	v61 =	vshll.u32 v6, $0x1;
	vm1 =	vge.s32 v8, v2  }
0xde: {  	v6 =	vand.u32 $0x7F, v6;
	v8 =	vand.u32 $0xFFFFFF00, v61;
	vm1 =	vmand vm1, vm2  }
0xdf: {  	v6 =	vor.u32 v6, v8;
	v5 =	vld.idx.msk [tilespmem:v5+s29+$0x0], $0xffff  }
0xe0: {  	v8 =	vor.u32 $0x80, v6;
	v7 =	vld.idx.msk [tilespmem:v7+s29+$0x0], $0xffff;
	_ =	sdelay $0x3  }
0xe1: {  	[tilespmem:v6+s30+$0x0] =	vst.idx.msk vm1, v5  }
0xe2: {  	[tilespmem:v8+s30+$0x0] =	vst.idx.msk vm1, v7  }
0xe3: {  	v5 =	vld [tilespmem:s9+$0x0];
	_ =	sdelay $0x4  }
0xe4: {  	v5 =	vsub.s32 v5, v4  }
0xe5: {  	vm1 =	vgt.s32 v5, $0x0  }
0xe6: {  	v5 =	vnsel vm1, $0x0, v5  }
0xe7: {  	v5 =	vmin.u32 v5, $0x29FF  }
0xe8: {  	v6 =	vld [tilespmem:s6+$0x0];
	v7 =	vshll.u32 v5, $0x1  }
0xe9: {  	v5 =	vand.u32 $0x7F, v5;
	v7 =	vand.u32 $0x7F00, v7  }
0xea: {  	v5 =	vor.u32 v5, v7  }
0xeb: {  	s10 =	sadd.s32 $0x10, s5;
	v7 =	vor.u32 $0x80, v5  }
0xec: {  	v62 =	vor.u32 s10, v0  }
0xed: {  	vm2 =	vlt.s32 v62, v3;
	v63 =	vshll.u32 v6, $0x1;
	vm1 =	vge.s32 v62, v2  }
0xee: {  	v6 =	vand.u32 $0x7F, v6;
	v8 =	vand.u32 $0xFFFFFF00, v63;
	vm1 =	vmand vm1, vm2  }
0xef: {  	v6 =	vor.u32 v6, v8;
	v5 =	vld.idx.msk [tilespmem:v5+s29+$0x0], $0xffff  }
0xf0: {  	p1 =	sne.s32 s1, $0x1;
	v8 =	vor.u32 $0x80, v6;
	v7 =	vld.idx.msk [tilespmem:v7+s29+$0x0], $0xffff  }
.Ltmp10:
0xf1: {  	_ = 	snop;
	(pc) =	sbr.rel @p1 .LBB2_10-.Ltmp10, $3  }
0xf2: {  	_ =	sdelay $0x1  }
0xf3: {  	s5 =	sadd.s32 $0x20, s5;
	[tilespmem:v6+s30+$0x0] =	vst.idx.msk vm1, v5  }
0xf4: {  	s1 =	sadd.s32 $0xFFFFFFFF, s1;
	s6 =	sadd.s32 $0x20, s6;
	s9 =	sadd.s32 $0x20, s9;
	[tilespmem:v8+s30+$0x0] =	vst.idx.msk vm1, v7  }
.Ltmp11:
0xf5: {  	_ = 	snop;
	(pc) =	sbr.rel .LBB2_11-.Ltmp11, $1  }
0xf6: {  	_ =	sdelay $0x3  }
.LBB2_12:
0xf7: {  	v2 =	vld [tilespmem:$0x8050];
	_ =	sdelay $0x4  }
0xf8: {  	v2 =	vsel vm0, $0x0, v2  }
0xf9: {  	(xrf0) =	vadd.scan.msk.s32 $0xffff, v2;
	_ =	sdelay $0x5  }
0xfa: {  	v2, _, _ =	vpop (xrf0)  }
0xfb: {  	(v2sf) =	vpush v2, $0xF;
	_ =	sdelay $0xe  }
0xfc: {  	s1 =	spop (v2sf)  }
0xfd: {  	s1 =	sadd.s32 $0x1F, s1  }
0xfe: {  	s4 =	sshra.s32 s4, $0x5;
	s1 =	sshra.s32 s1, $0x5  }
0xff: {  	p1 =	sle.s32 s1, s4  }
.Ltmp12:
0x100: {  	_ = 	snop;
	(pc) =	sbr.rel @p1 .LBB2_15-.Ltmp12, $1  }
0x101: {  	_ =	sdelay $0x3  }
0x102: {  	s5 =	sshll.u32 s4, $0x7  }
0x103: {  	s1 =	ssub.s32 s1, s4;
	s6 =	sshra.s32 s5, $0x2  }
0x104: {  	v1 =	vbroadcast v1, $0xF;
	v2 =	vbroadcast v2, $0xF;
	s4 =	sshll.u32 s4, $0x5;
	s5 =	sadd.s32 $0x4010, s6;
	s6 =	sor.u32 $0x10, s6  }
.LBB2_14:
0x105: {  	v3 =	vld [tilespmem:s6+$0xFFFFFFF0];
	_ =	sdelay $0x4  }
0x106: {  	v3 =	vadd.s32 $0xFFF0BE00, v3  }
0x107: {  	v4 =	vld [tilespmem:s5+$0xFFFFFFF0];
	vm1 =	vgt.s32 v3, $0x0  }
0x108: {  	v3 =	vnsel vm1, $0x0, v3  }
0x109: {  	v3 =	vmin.u32 v3, $0x3F  }
0x10a: {  	v5 =	vor.u32 $0x80, v3  }
0x10b: {  	v6 =	vor.u32 s4, v0  }
0x10c: {  	vm2 =	vlt.s32 v6, v2;
	v60 =	vshll.u32 v4, $0x1;
	vm1 =	vge.s32 v6, v1  }
0x10d: {  	v4 =	vand.u32 $0x7F, v4;
	v6 =	vand.u32 $0xFFFFFF00, v60;
	vm1 =	vmand vm1, vm2  }
0x10e: {  	v4 =	vor.u32 v4, v6;
	v3 =	vld.idx.msk [tilespmem:v3+s20+$0x0], $0xffff  }
0x10f: {  	v6 =	vor.u32 $0x80, v4;
	v5 =	vld.idx.msk [tilespmem:v5+s20+$0x0], $0xffff;
	_ =	sdelay $0x3  }
0x110: {  	[tilespmem:v4+s30+$0x0] =	vst.idx.msk vm1, v3  }
0x111: {  	[tilespmem:v6+s30+$0x0] =	vst.idx.msk vm1, v5  }
0x112: {  	v3 =	vld [tilespmem:s6+$0x0];
	_ =	sdelay $0x4  }
0x113: {  	v3 =	vadd.s32 $0xFFF0BE00, v3  }
0x114: {  	v4 =	vld [tilespmem:s5+$0x0];
	vm1 =	vgt.s32 v3, $0x0  }
0x115: {  	v3 =	vnsel vm1, $0x0, v3  }
0x116: {  	v3 =	vmin.u32 v3, $0x3F  }
0x117: {  	s9 =	sadd.s32 $0x10, s4;
	v61 =	vor.u32 $0x80, v3  }
0x118: {  	v62 =	vor.u32 s9, v0  }
0x119: {  	vm2 =	vlt.s32 v62, v2;
	v63 =	vshll.u32 v4, $0x1;
	vm1 =	vge.s32 v62, v1  }
0x11a: {  	v4 =	vand.u32 $0x7F, v4;
	v6 =	vand.u32 $0xFFFFFF00, v63;
	vm1 =	vmand vm1, vm2  }
0x11b: {  	v4 =	vor.u32 v4, v6;
	v3 =	vld.idx.msk [tilespmem:v3+s20+$0x0], $0xffff  }
0x11c: {  	p1 =	sne.s32 s1, $0x1;
	v6 =	vor.u32 $0x80, v4;
	v5 =	vld.idx.msk [tilespmem:v61+s20+$0x0], $0xffff  }
.Ltmp13:
0x11d: {  	_ = 	snop;
	(pc) =	sbr.rel @p1 .LBB2_14-.Ltmp13, $3  }
0x11e: {  	_ =	sdelay $0x1  }
0x11f: {  	s4 =	sadd.s32 $0x20, s4;
	[tilespmem:v4+s30+$0x0] =	vst.idx.msk vm1, v3  }
0x120: {  	s1 =	sadd.s32 $0xFFFFFFFF, s1;
	s5 =	sadd.s32 $0x20, s5;
	s6 =	sadd.s32 $0x20, s6;
	[tilespmem:v6+s30+$0x0] =	vst.idx.msk vm1, v5  }
.Ltmp14:
0x121: {  	_ = 	snop;
	(pc) =	sbr.rel .LBB2_15-.Ltmp14, $1  }
0x122: {  	_ =	sdelay $0x3  }
.LBB2_16:
0x123: {  	s1 =	rddreg [dreg:$0xc]  }
0x124: {  	s24 =	rddreg [dreg:$0xd];
	v1 =	vld [tilespmem:s1+$0x0]  }
0x125: {  	s4 =	simm.s32 $0x0;
	v2 =	vld [tilespmem:s24+$0x0];
	s1 =	simm.s32 $0x0  }
.LBB2_17:
0x126: {  	s5 =	sshll.u32 s4, $0x8  }
0x127: {  	s5 =	sadd.s32 s7, s5  }
0x128: {  	[tilespmem:s23], [sflag:$0x4] =	stream.linear.gather [hbm4b:s5+s1], $0x80, $0x38;
	[tilespmem:$0x1FE00] =	vst v63  }
0x129: {  	s6 =	sadd.s32 $0x10, s5  }
0x12a: {  	[tilespmem:s14], [sflag:$0x4] =	stream.linear.gather [hbm4b:s6+s1], $0x80, $0x38;
	[tilespmem:$0x1FE00] =	vst v63  }
0x12b: {  	s10 =	sadd.s32 $0x20, s5  }
0x12c: {  	[tilespmem:s15], [sflag:$0x4] =	stream.linear.gather [hbm4b:s10+s1], $0x80, $0x38;
	[tilespmem:$0x1FE00] =	vst v63  }
0x12d: {  	s11 =	sadd.s32 $0x30, s5  }
0x12e: {  	[tilespmem:s19], [sflag:$0x4] =	stream.linear.gather [hbm4b:s11+s1], $0x80, $0x38;
	[tilespmem:$0x1FE00] =	vst v63  }
0x12f: {  	s9 =	simm.s32 $0x8600;
	s24 =	sadd.s32 $0x40, s5  }
0x130: {  	[tilespmem:s9], [sflag:$0x4] =	stream.linear.gather [hbm4b:s24+s1], $0x80, $0x38;
	[tilespmem:$0x1FE00] =	vst v63  }
0x131: {  	s10 =	simm.s32 $0x8700;
	s9 =	sadd.s32 $0x50, s5  }
0x132: {  	[tilespmem:s10], [sflag:$0x4] =	stream.linear.gather [hbm4b:s9+s1], $0x80, $0x38;
	[tilespmem:$0x1FE00] =	vst v63  }
0x133: {  	s11 =	sadd.s32 $0x60, s5;
	s24 =	simm.s32 $0x8800  }
0x134: {  	[tilespmem:s24], [sflag:$0x4] =	stream.linear.gather [hbm4b:s11+s1], $0x80, $0x38;
	[tilespmem:$0x1FE00] =	vst v63  }
0x135: {  	s9 =	sadd.s32 $0x70, s5;
	s10 =	simm.s32 $0x8900  }
0x136: {  	[tilespmem:s10], [sflag:$0x4] =	stream.linear.gather [hbm4b:s9+s1], $0x80, $0x38;
	[tilespmem:$0x1FE00] =	vst v63  }
0x137: {  	s11 =	sadd.s32 $0x80, s5;
	s24 =	simm.s32 $0x8A00  }
0x138: {  	[tilespmem:s24], [sflag:$0x4] =	stream.linear.gather [hbm4b:s11+s1], $0x80, $0x38;
	[tilespmem:$0x1FE00] =	vst v63  }
0x139: {  	s9 =	sadd.s32 $0x90, s5;
	s10 =	simm.s32 $0x8B00  }
0x13a: {  	[tilespmem:s10], [sflag:$0x4] =	stream.linear.gather [hbm4b:s9+s1], $0x80, $0x38;
	[tilespmem:$0x1FE00] =	vst v63  }
0x13b: {  	s11 =	sadd.s32 $0xA0, s5;
	s24 =	simm.s32 $0x8C00  }
0x13c: {  	[tilespmem:s24], [sflag:$0x4] =	stream.linear.gather [hbm4b:s11+s1], $0x80, $0x38;
	[tilespmem:$0x1FE00] =	vst v63  }
0x13d: {  	s9 =	sadd.s32 $0xB0, s5;
	s10 =	simm.s32 $0x8D00  }
0x13e: {  	[tilespmem:s10], [sflag:$0x4] =	stream.linear.gather [hbm4b:s9+s1], $0x80, $0x38;
	[tilespmem:$0x1FE00] =	vst v63  }
0x13f: {  	s11 =	sadd.s32 $0xC0, s5;
	s24 =	simm.s32 $0x8E00  }
0x140: {  	[tilespmem:s24], [sflag:$0x4] =	stream.linear.gather [hbm4b:s11+s1], $0x80, $0x38;
	[tilespmem:$0x1FE00] =	vst v63  }
0x141: {  	s9 =	sadd.s32 $0xD0, s5;
	s10 =	simm.s32 $0x8F00  }
0x142: {  	[tilespmem:s10], [sflag:$0x4] =	stream.linear.gather [hbm4b:s9+s1], $0x80, $0x38;
	[tilespmem:$0x1FE00] =	vst v63  }
0x143: {  	s11 =	sadd.s32 $0xE0, s5;
	s24 =	simm.s32 $0x9000  }
0x144: {  	[tilespmem:s24], [sflag:$0x4] =	stream.linear.gather [hbm4b:s11+s1], $0x80, $0x38;
	[tilespmem:$0x1FE00] =	vst v63  }
0x145: {  	s5 =	sadd.s32 $0xF0, s5;
	s10 =	simm.s32 $0x9100  }
0x146: {  	[tilespmem:s10], [sflag:$0x4] =	stream.linear.gather [hbm4b:s5+s1], $0x80, $0x38;
	[tilespmem:$0x1FE00] =	vst v63  }
0x147: {  	_ =	swait.ge [sflag:s16], $0x800  }
0x148: {  	s11 =	sand.u32 $0x70, s1;
	s24 =	sand.u32 $0xF00, s1;
	[sflag:s16] =	ssyncset.done $0x0  }
0x149: {  	s5 =	sor.u32 s11, s24;
	[sflag:s16] =	ssyncadd.s32 $0xFFFFF800  }
0x14a: {  	v3 =	vld [tilespmem:s5+$0x8200]  }
0x14b: {  	s6 =	simm.s32 $0x10;
	s9 =	simm.s32 $0x0  }
.LBB2_18:
0x14c: {  	p1 =	sne.s32 s6, $0x7F0  }
.Ltmp15:
0x14d: {  	s10 =	sand.u32 $0x70, s6;
	s9 =	sadd.s32 $0x20, s9;
	(pc) =	sbr.rel @p1 .LBB2_18-.Ltmp15, $4  }
0x14e: {  	s6 =	sadd.s32 $0x10, s6;
	s11 =	sand.u32 $0xF00, s9  }
0x14f: {  	s10 =	sor.u32 s10, s11;
	vm1 =	veq.s32 v3, $0x0  }
0x150: {  	v3 =	vld [tilespmem:s10+$0x8200];
	v4 =	vsel vm1, v1, v2  }
0x151: {  	[tilespmem:s5+$0x8280] =	vst v4;
	s5 =	smov.u32 s10  }
0x152: {  	_ =	sdelay $0x2  }
0x153: {  	vm1 =	veq.s32 v3, $0x0  }
0x154: {  	s6 =	sshll.u32 s4, $0xB;
	v3 =	vsel vm1, v1, v2  }
0x155: {  	s9 =	simm.s32 $0x8280;
	[tilespmem:s5+$0x8280] =	vst v3;
	s5 =	sadd.s32 s6, s13  }
0x156: {  	[hbm4b:s5+s3] =	stream.linear.scatter [tilespmem:s9], [sflag:$0x4], $0x80, $0x38;
	[tilespmem:$0x1FE00] =	vst v63  }
0x157: {  	s10 =	sadd.s32 $0x80, s5;
	s9 =	simm.s32 $0x8380  }
0x158: {  	[hbm4b:s10+s3] =	stream.linear.scatter [tilespmem:s9], [sflag:$0x4], $0x80, $0x38;
	[tilespmem:$0x1FE00] =	vst v63  }
0x159: {  	s24 =	simm.s32 $0x8480;
	s11 =	sadd.s32 $0x100, s5  }
0x15a: {  	[hbm4b:s11+s3] =	stream.linear.scatter [tilespmem:s24], [sflag:$0x4], $0x80, $0x38;
	[tilespmem:$0x1FE00] =	vst v63  }
0x15b: {  	s9 =	sadd.s32 $0x180, s5;
	s10 =	simm.s32 $0x8580  }
0x15c: {  	[hbm4b:s9+s3] =	stream.linear.scatter [tilespmem:s10], [sflag:$0x4], $0x80, $0x38;
	[tilespmem:$0x1FE00] =	vst v63  }
0x15d: {  	s11 =	sadd.s32 $0x200, s5;
	s24 =	simm.s32 $0x8680  }
0x15e: {  	[hbm4b:s11+s3] =	stream.linear.scatter [tilespmem:s24], [sflag:$0x4], $0x80, $0x38;
	[tilespmem:$0x1FE00] =	vst v63  }
0x15f: {  	s9 =	sadd.s32 $0x280, s5;
	s10 =	simm.s32 $0x8780  }
0x160: {  	[hbm4b:s9+s3] =	stream.linear.scatter [tilespmem:s10], [sflag:$0x4], $0x80, $0x38;
	[tilespmem:$0x1FE00] =	vst v63  }
0x161: {  	s11 =	sadd.s32 $0x300, s5;
	s24 =	simm.s32 $0x8880  }
0x162: {  	[hbm4b:s11+s3] =	stream.linear.scatter [tilespmem:s24], [sflag:$0x4], $0x80, $0x38;
	[tilespmem:$0x1FE00] =	vst v63  }
0x163: {  	s9 =	sadd.s32 $0x380, s5;
	s10 =	simm.s32 $0x8980  }
0x164: {  	[hbm4b:s9+s3] =	stream.linear.scatter [tilespmem:s10], [sflag:$0x4], $0x80, $0x38;
	[tilespmem:$0x1FE00] =	vst v63  }
0x165: {  	s11 =	sadd.s32 $0x400, s5;
	s24 =	simm.s32 $0x8A80  }
0x166: {  	[hbm4b:s11+s3] =	stream.linear.scatter [tilespmem:s24], [sflag:$0x4], $0x80, $0x38;
	[tilespmem:$0x1FE00] =	vst v63  }
0x167: {  	s9 =	sadd.s32 $0x480, s5;
	s10 =	simm.s32 $0x8B80  }
0x168: {  	[hbm4b:s9+s3] =	stream.linear.scatter [tilespmem:s10], [sflag:$0x4], $0x80, $0x38;
	[tilespmem:$0x1FE00] =	vst v63  }
0x169: {  	s11 =	sadd.s32 $0x500, s5;
	s24 =	simm.s32 $0x8C80  }
0x16a: {  	[hbm4b:s11+s3] =	stream.linear.scatter [tilespmem:s24], [sflag:$0x4], $0x80, $0x38;
	[tilespmem:$0x1FE00] =	vst v63  }
0x16b: {  	s9 =	sadd.s32 $0x580, s5;
	s10 =	simm.s32 $0x8D80  }
0x16c: {  	[hbm4b:s9+s3] =	stream.linear.scatter [tilespmem:s10], [sflag:$0x4], $0x80, $0x38;
	[tilespmem:$0x1FE00] =	vst v63  }
0x16d: {  	s11 =	sadd.s32 $0x600, s5;
	s24 =	simm.s32 $0x8E80  }
0x16e: {  	[hbm4b:s11+s3] =	stream.linear.scatter [tilespmem:s24], [sflag:$0x4], $0x80, $0x38;
	[tilespmem:$0x1FE00] =	vst v63  }
0x16f: {  	s10 =	sadd.s32 $0x680, s5;
	s11 =	simm.s32 $0x8F80  }
0x170: {  	[hbm4b:s10+s3] =	stream.linear.scatter [tilespmem:s11], [sflag:$0x4], $0x80, $0x38;
	[tilespmem:$0x1FE00] =	vst v63  }
0x171: {  	s4 =	sadd.s32 $0x1, s4;
	s24 =	sadd.s32 $0x700, s5  }
0x172: {  	[hbm4b:s24+s3] =	stream.linear.scatter [tilespmem:s25], [sflag:$0x4], $0x80, $0x38;
	[tilespmem:$0x1FE00] =	vst v63  }
0x173: {  	p1 =	sne.s32 s4, $0x8;
	s5 =	sadd.s32 $0x780, s5  }
0x174: {  	[hbm4b:s5+s3] =	stream.linear.scatter [tilespmem:s17], [sflag:$0x4], $0x80, $0x38;
	[tilespmem:$0x1FE00] =	vst v63  }
.Ltmp16:
0x175: {  	_ = 	snop;
	(pc) =	sbr.rel @p1 .LBB2_17-.Ltmp16, $4  }
.Ltmp17:
0x176: {  	_ = 	snop;
	(pc) =	sbr.rel @!p1 .LBB2_20-.Ltmp17, $4  }
0x177: {  	_ =	swait.ge [sflag:s16], $0x800  }
0x178: {  	[sflag:s16] =	ssyncset.done $0x0  }
0x179: {  	[sflag:s16] =	ssyncadd.s32 $0xFFFFF800  }
0x17a: {  	_ = 	snop  }
.LBB2_21:
0x17b: {  	_ =	sfence.sel $0x180000  }
0x17c: {  	[bflag:$0x0] =	sbarrier.arrive $0xFFFF  }
0x17d: {  	_ =	strace $0x90000047  }
0x17e: {  	[bflag:$0x2] =	sbarrier.arrive $0xFFFF  }
0x17f: {  	s0 =	rddreg [dreg:$0x3]  }
0x180: {  	s0 =	sadd.s32 @!p0 $0x100000, s0  }
0x181: {  	[sflag:s0] =	ssyncadd.tile.s32 @!p0 $0x1;
	_ =	shalt  }
.Lfunc_end2:
_tile_overlayer_lowered:
.L_overlay_start_2:
0x182: {  	(tag) =	ssettag $0x2  }
0x183: {  	s0 =	rddreg [dreg:$0x0];
	s2 =	stileid.u32  }
0x184: {  	s1 =	rddreg [dreg:$0x1];
	p0 =	sne.s32 s2, $0x0  }
0x185: {  	s3 =	rddreg [dreg:$0x2];
	[bflag:$0x3] =	sbarrier.arrive $0xFFFF;
	s2 =	simm.s32 @!p0 $0x1C04  }
0x186: {  	[timem:s3], [sflag:s2] =	dma.local @!p0 [hbm:s0], s1  }
0x187: {  	s0 =	simm.s32 @!p0 $0x4  }
0x188: {  	_ =	swait.ge @!p0 [sflag:s0], s1  }
0x189: {  	s1 =	ssub.s32 @!p0 $0x0, s1;
	[sflag:s0] =	ssyncset.done @!p0 $0x0  }
0x18a: {  	[sflag:s0] =	ssyncadd.s32 @!p0 s1  }
0x18b: {  	[bflag:$0x3] =	sbarrier.arrive $0xFFFF  }
0x18c: {  	_ =	shalt  }

</sc_bundles>
